<compile_context>
chip_gen: v7x
topology: tpu7x:2x2x1
jax: 0.10.2.dev20260603
libtpu: 0.0.44.dev20260713+nightly
codegen_flags: <defaults>
</compile_context>

<pallas_src>
import functools

import jax
import jax.numpy as jnp
from jax import lax
from jax.experimental import pallas as pl
from jax.experimental.pallas import tpu as pltpu
from jax.experimental.pallas import tpu_sc as plsc

_N = 10000
_E = 320000
_D = 128
_DC = 8
_NC = 2
_NS = 16
_NW = _NC * _NS
_EPW = _E // _NW
_CH = 40
_NCH = _EPW // _CH
_NP = 10112
_RPT = _NP // _NS
_BM = 2000
_NBLK = _N // _BM



def _sc_agg_body(x, src3, dst3, zsum, zcnt, ones_h, out_sum, out_cnt,
                 idx_s, idx_d, rows0, rows1, rows2, ones_v, acc, acc_c,
                 sem0, sem1, sem2, semc, semz):
    c = lax.axis_index("c")
    s = lax.axis_index("s")
    wid = s * _NC + c

    def gather(j, buf, sem):
        pltpu.async_copy(x.at[idx_s.at[j]], buf, sem)

    def wait_g(buf, sem):
        pltpu.make_async_copy(x.at[idx_s.at[0]], buf, sem).wait()

    def scat(j, buf):
        pltpu.sync_copy(buf, acc.at[idx_d.at[j]], add=True)
        pltpu.async_copy(ones_v, acc_c.at[idx_d.at[j]], semc, add=True)

    def drain_c(i, carry):
        pltpu.make_async_copy(ones_v, acc_c.at[idx_d.at[0]], semc).wait()
        return carry

    pltpu.sync_copy(src3.at[wid], idx_s)
    gather(0, rows0, sem0)
    gather(1, rows1, sem1)
    gather(2, rows2, sem2)
    pltpu.async_copy(dst3.at[wid], idx_d, semz)
    pltpu.async_copy(ones_h, ones_v, semz)
    pltpu.async_copy(zsum, acc.at[pl.ds(s * _RPT, _RPT)], semz)
    pltpu.async_copy(zcnt, acc_c.at[pl.ds(s * _RPT, _RPT)], semz)
    pltpu.make_async_copy(dst3.at[wid], idx_d, semz).wait()
    pltpu.make_async_copy(ones_h, ones_v, semz).wait()
    pltpu.make_async_copy(zsum, acc.at[pl.ds(s * _RPT, _RPT)], semz).wait()
    pltpu.make_async_copy(zcnt, acc_c.at[pl.ds(s * _RPT, _RPT)], semz).wait()
    plsc.subcore_barrier()

    def body(i, carry):
        j = 3 * i
        wait_g(rows0, sem0)
        scat(j, rows0)

        @pl.when(j + 3 < _NCH)
        def _pref0():
            gather(j + 3, rows0, sem0)

        wait_g(rows1, sem1)
        scat(j + 1, rows1)

        @pl.when(j + 4 < _NCH)
        def _pref1():
            gather(j + 4, rows1, sem1)

        wait_g(rows2, sem2)
        scat(j + 2, rows2)

        @pl.when(j + 5 < _NCH)
        def _pref2():
            gather(j + 5, rows2, sem2)

        return carry

    lax.fori_loop(0, _NCH // 3, body, 0)
    for r in range(_NCH - 3 * (_NCH // 3)):
        j = 3 * (_NCH // 3) + r
        buf, sem = [(rows0, sem0), (rows1, sem1), (rows2, sem2)][r]
        wait_g(buf, sem)
        scat(j, buf)

    lax.fori_loop(0, _NCH, drain_c, 0)
    plsc.subcore_barrier()
    pltpu.sync_copy(acc.at[pl.ds(s * _RPT, _RPT)],
                    out_sum.at[c, pl.ds(s * _RPT, _RPT)])
    pltpu.sync_copy(acc_c.at[pl.ds(s * _RPT, _RPT)],
                    out_cnt.at[c, pl.ds(s * _RPT, _RPT)])


@functools.lru_cache(maxsize=1)
def _get_sc_agg():
    return pl.kernel(
        _sc_agg_body,
        out_type=[
            jax.ShapeDtypeStruct((_NC, _NP, _D), jnp.float32),
            jax.ShapeDtypeStruct((_NC, _NP, _DC), jnp.float32),
        ],
        mesh=plsc.VectorSubcoreMesh(core_axis_name="c", subcore_axis_name="s"),
        scratch_types=[
            pltpu.VMEM((_NCH, _CH), jnp.int32),
            pltpu.VMEM((_NCH, _CH), jnp.int32),
            pltpu.VMEM((_CH, _D), jnp.float32),
            pltpu.VMEM((_CH, _D), jnp.float32),
            pltpu.VMEM((_CH, _D), jnp.float32),
            pltpu.VMEM((_CH, _DC), jnp.float32),
            pltpu.VMEM_SHARED((_NP, _D), jnp.float32),
            pltpu.VMEM_SHARED((_NP, _DC), jnp.float32),
            pltpu.SemaphoreType.DMA,
            pltpu.SemaphoreType.DMA,
            pltpu.SemaphoreType.DMA,
            pltpu.SemaphoreType.DMA,
            pltpu.SemaphoreType.DMA,
        ],
        compiler_params=pltpu.CompilerParams(use_tc_tiling_on_sc=False),
    )



def _tc_stats_body(nz_ref, x_ref, p_ref, pc_ref, w1_ref, w2_ref, b_ref, g_ref,
                   bt_ref, y_ref, st_ref, acc_ref):
    i = pl.program_id(0)

    @pl.when(i == 0)
    def _init():
        acc_ref[...] = jnp.zeros_like(acc_ref)
        st_ref[...] = jnp.zeros_like(st_ref)

    ssum = p_ref[0] + p_ref[1] + nz_ref[0, 0]
    cnt = jnp.maximum(pc_ref[0, :, 0:1] + pc_ref[1, :, 0:1], 1.0)
    mean = ssum / cnt
    y = (jnp.dot(x_ref[...], w1_ref[...], preferred_element_type=jnp.float32)
         + jnp.dot(mean, w2_ref[...], preferred_element_type=jnp.float32)
         + b_ref[...])
    y_ref[...] = y
    acc_ref[0:1, :] = acc_ref[0:1, :] + jnp.sum(y, axis=0, keepdims=True)
    acc_ref[1:2, :] = acc_ref[1:2, :] + jnp.sum(y * y, axis=0, keepdims=True)

    @pl.when(i == pl.num_programs(0) - 1)
    def _fin():
        mu = acc_ref[0:1, :] * (1.0 / _N)
        var = acc_ref[1:2, :] * (1.0 / _N) - mu * mu
        rstd = lax.rsqrt(var + 1e-5)
        scale = g_ref[...] * rstd
        st_ref[0:1, :] = scale
        st_ref[1:2, :] = bt_ref[...] - mu * scale


@functools.lru_cache(maxsize=1)
def _get_stats_call():
    return pl.pallas_call(
        _tc_stats_body,
        grid=(_NBLK,),
        in_specs=[
            pl.BlockSpec(memory_space=pltpu.SMEM),
            pl.BlockSpec((_BM, _D), lambda i: (i, 0)),
            pl.BlockSpec((_NC, _BM, _D), lambda i: (0, i, 0)),
            pl.BlockSpec((_NC, _BM, _DC), lambda i: (0, i, 0)),
            pl.BlockSpec((_D, _D), lambda i: (0, 0)),
            pl.BlockSpec((_D, _D), lambda i: (0, 0)),
            pl.BlockSpec((1, _D), lambda i: (0, 0)),
            pl.BlockSpec((1, _D), lambda i: (0, 0)),
            pl.BlockSpec((1, _D), lambda i: (0, 0)),
        ],
        out_specs=[
            pl.BlockSpec((_BM, _D), lambda i: (i, 0)),
            pl.BlockSpec((8, _D), lambda i: (0, 0)),
        ],
        out_shape=[
            jax.ShapeDtypeStruct((_N, _D), jnp.float32),
            jax.ShapeDtypeStruct((8, _D), jnp.float32),
        ],
        scratch_shapes=[pltpu.VMEM((8, _D), jnp.float32)],
        compiler_params=pltpu.CompilerParams(
            dimension_semantics=("arbitrary",)),
    )


def _tc_norm_body(y_ref, st_ref, o_ref):
    o_ref[...] = jnp.maximum(y_ref[...] * st_ref[0:1, :] + st_ref[1:2, :], 0.0)


@functools.lru_cache(maxsize=1)
def _get_norm_call():
    return pl.pallas_call(
        _tc_norm_body,
        grid=(_NBLK,),
        in_specs=[
            pl.BlockSpec((_BM, _D), lambda i: (i, 0)),
            pl.BlockSpec((8, _D), lambda i: (0, 0)),
        ],
        out_specs=pl.BlockSpec((_BM, _D), lambda i: (i, 0)),
        out_shape=jax.ShapeDtypeStruct((_N, _D), jnp.float32),
    )


def kernel(x, edge_index, num_nodes, W, b, gamma, beta):
    x = x.astype(jnp.float32)
    eit = edge_index.astype(jnp.int32).T
    src3 = eit[0].reshape(_NW, _NCH, _CH)
    dst3 = eit[1].reshape(_NW, _NCH, _CH)
    zsum = jnp.zeros((_RPT, _D), jnp.float32)
    zcnt = jnp.zeros((_RPT, _DC), jnp.float32)
    ones_h = jnp.ones((_CH, _DC), jnp.float32)
    psum, pcnt = _get_sc_agg()(x, src3, dst3, zsum, zcnt, ones_h)

    nz = (jnp.asarray(num_nodes, jnp.float32) - jnp.float32(_N)).reshape(1, 1)
    y, st = _get_stats_call()(
        nz, x, psum, pcnt, W[:_D], W[_D:], b.reshape(1, _D),
        gamma.reshape(1, _D), beta.reshape(1, _D))
    return _get_norm_call()(y, st)

# --- scband reference (transcript-rebuilt; emitter-appended) ---
"""Pipeline reference for scband-sageconv-53884659695845 (READ-ONLY COPY).

The authoritative reference and input builder live on the scoring server;
editing this copy changes nothing except your own understanding.
"""

import jax, jax.numpy as jnp
import numpy as np

N_NODES = 10000
N_EDGES = 320000
D_IN = 128
D_OUT = 128

def setup_inputs(seed: int = 0) -> dict:
    key = jax.random.key(seed)
    k_x, k_e, k_w, k_b = jax.random.split(key, 4)
    x = jax.random.normal(k_x, (N_NODES, D_IN), dtype=jnp.float32)
    edge_index = jax.random.randint(k_e, (N_EDGES, 2), 0, N_NODES, dtype=jnp.int64)
    # nn.Linear(in_features*2, out_features): weight stored as (in*2, out) for combined @ W
    W = jax.random.normal(k_w, (2 * D_IN, D_OUT), dtype=jnp.float32) * (1.0 / np.sqrt(2 * D_IN))
    b = jax.random.normal(k_b, (D_OUT,), dtype=jnp.float32) * 0.01
    gamma = jnp.ones((D_OUT,), dtype=jnp.float32)
    beta = jnp.zeros((D_OUT,), dtype=jnp.float32)
    return {"x": x, "edge_index": edge_index, "num_nodes": N_NODES, "W": W, "b": b, "gamma": gamma, "beta": beta}

def reference(x, edge_index, num_nodes, W, b, gamma, beta):
    src = edge_index[:, 0]
    dst = edge_index[:, 1]
    n_static = x.shape[0]
    num_nodes_zero = (jnp.asarray(num_nodes) - n_static).astype(x.dtype)
    # scatter-add neighbor aggregation (index_add_)
    neighbor_sum = jnp.zeros((n_static, x.shape[1]), dtype=x.dtype).at[dst].add(x[src]) + num_nodes_zero
    neighbor_count = jnp.zeros((n_static, 1), dtype=x.dtype).at[dst].add(jnp.ones((dst.shape[0], 1), dtype=x.dtype))
    neighbor_count = jnp.clip(neighbor_count, 1.0, None)
    neighbor_mean = neighbor_sum / neighbor_count
    combined = jnp.concatenate([x, neighbor_mean], axis=1)
    out = combined @ W + b
    # BatchNorm1d in training mode: batch statistics over dim 0, biased variance, eps=1e-5
    mu = jnp.mean(out, axis=0)
    var = jnp.mean((out - mu) ** 2, axis=0)
    out = gamma * (out - mu) / jnp.sqrt(var + 1e-5) + beta
    out = jax.nn.relu(out)
    return out

if __name__ == "__main__":
    import jax
    _d = setup_inputs()
    print(jax.jit(kernel)(*tuple(_d.values())))

</pallas_src>

<mosaic_0001>
#map = affine_map<(d0, d1) -> (0, 0)>
#map1 = affine_map<(d0, d1) -> (0, 0, 0)>
module attributes {stable_mosaic.version = 14 : i64} {
  func.func @_sc_agg_body(%arg0: i32, %arg1: i32, %arg2: memref<10000x128xf32, #tpu.memory_space<hbm>>, %arg3: memref<32x250x40xi32, #tpu.memory_space<hbm>>, %arg4: memref<32x250x40xi32, #tpu.memory_space<hbm>>, %arg5: memref<632x128xf32, #tpu.memory_space<hbm>>, %arg6: memref<632x8xf32, #tpu.memory_space<hbm>>, %arg7: memref<40x8xf32, #tpu.memory_space<hbm>>, %arg8: memref<2x10112x128xf32, #tpu.memory_space<hbm>>, %arg9: memref<2x10112x8xf32, #tpu.memory_space<hbm>>, %arg10: memref<250x40xi32, #tpu.memory_space<vmem>>, %arg11: memref<250x40xi32, #tpu.memory_space<vmem>>, %arg12: memref<40x128xf32, #tpu.memory_space<vmem>>, %arg13: memref<40x128xf32, #tpu.memory_space<vmem>>, %arg14: memref<40x128xf32, #tpu.memory_space<vmem>>, %arg15: memref<40x8xf32, #tpu.memory_space<vmem>>, %arg16: memref<10112x128xf32, #tpu.memory_space<vmem_shared>>, %arg17: memref<10112x8xf32, #tpu.memory_space<vmem_shared>>, %arg18: memref<!tpu.dma_semaphore, #tpu.memory_space<semaphore_mem>>, %arg19: memref<!tpu.dma_semaphore, #tpu.memory_space<semaphore_mem>>, %arg20: memref<!tpu.dma_semaphore, #tpu.memory_space<semaphore_mem>>, %arg21: memref<!tpu.dma_semaphore, #tpu.memory_space<semaphore_mem>>, %arg22: memref<!tpu.dma_semaphore, #tpu.memory_space<semaphore_mem>>) attributes {dimension_semantics = [#tpu.dimension_semantics<core_parallel>, #tpu.dimension_semantics<subcore_parallel>], iteration_bounds = array<i64: 2, 16>, scalar_prefetch = 0 : i64, scratch_operands = 13 : i64, tpu.core_type = #tpu.core_type<sc_vector_subcore>, window_params = [{transform_indices = #map}, {transform_indices = #map1}, {transform_indices = #map1}, {transform_indices = #map}, {transform_indices = #map}, {transform_indices = #map}, {transform_indices = #map1}, {transform_indices = #map1}]} {
    %mul3A = arith.constant 2 : i32
    %mul3A_0 = arith.muli %arg1, %mul3A : i32
    %add3A = arith.addi %mul3A_0, %arg0 : i32
    "tpu.region"() ({
      %run_scoped3A_86 = tpu.sem_alloc : memref<!tpu.dma_semaphore, #tpu.memory_space<semaphore_mem>>
      %dma_start3A_87 = arith.constant 0 : i32
      %dma_start3A_88 = arith.constant 0 : i32
      %dma_start3A_89 = tpu.memref_slice %arg3[%add3A, %dma_start3A_87, %dma_start3A_88] : memref<32x250x40xi32, #tpu.memory_space<hbm>> -> memref<1x250x40xi32, #tpu.memory_space<hbm>>
      %dma_start3A_90 = tpu.memref_squeeze %dma_start3A_89 : memref<1x250x40xi32, #tpu.memory_space<hbm>> -> memref<250x40xi32, #tpu.memory_space<hbm>>
      %dma_start3A_91 = arith.constant 0 : i32
      %dma_start3A_92 = arith.constant 0 : i32
      %dma_start3A_93 = tpu.memref_slice %arg3[%add3A, %dma_start3A_91, %dma_start3A_92] : memref<32x250x40xi32, #tpu.memory_space<hbm>> -> memref<1x250x40xi32, #tpu.memory_space<hbm>>
      %dma_start3A_94 = tpu.memref_squeeze %dma_start3A_93 : memref<1x250x40xi32, #tpu.memory_space<hbm>> -> memref<250x40xi32, #tpu.memory_space<hbm>>
      tpu.enqueue_dma source(%dma_start3A_94 : memref<250x40xi32, #tpu.memory_space<hbm>>) target(%arg10 : memref<250x40xi32, #tpu.memory_space<vmem>>) target_semaphore(%run_scoped3A_86 : memref<!tpu.dma_semaphore, #tpu.memory_space<semaphore_mem>>)
      %dma_wait3A_95 = arith.constant 0 : i32
      %dma_wait3A_96 = arith.constant 0 : i32
      %dma_wait3A_97 = tpu.memref_slice %arg3[%add3A, %dma_wait3A_95, %dma_wait3A_96] : memref<32x250x40xi32, #tpu.memory_space<hbm>> -> memref<1x250x40xi32, #tpu.memory_space<hbm>>
      %dma_wait3A_98 = tpu.memref_squeeze %dma_wait3A_97 : memref<1x250x40xi32, #tpu.memory_space<hbm>> -> memref<250x40xi32, #tpu.memory_space<hbm>>
      %dma_wait3A_99 = arith.constant 0 : i32
      %dma_wait3A_100 = arith.constant 0 : i32
      %dma_wait3A_101 = tpu.memref_slice %arg3[%add3A, %dma_wait3A_99, %dma_wait3A_100] : memref<32x250x40xi32, #tpu.memory_space<hbm>> -> memref<1x250x40xi32, #tpu.memory_space<hbm>>
      %dma_wait3A_102 = tpu.memref_squeeze %dma_wait3A_101 : memref<1x250x40xi32, #tpu.memory_space<hbm>> -> memref<250x40xi32, #tpu.memory_space<hbm>>
      tpu.wait_dma2 semaphore(%run_scoped3A_86 : memref<!tpu.dma_semaphore, #tpu.memory_space<semaphore_mem>>) src(%dma_wait3A_102 : memref<250x40xi32, #tpu.memory_space<hbm>>) dst(%arg10 : memref<250x40xi32, #tpu.memory_space<vmem>>)
      tpu.yield
    }) : () -> ()
    %dma_start3A = arith.constant 0 : i32
    %dma_start3A_1 = arith.constant 0 : i32
    %dma_start3A_2 = tpu.memref_slice %arg10[%dma_start3A, %dma_start3A_1] : memref<250x40xi32, #tpu.memory_space<vmem>> -> memref<1x40xi32, #tpu.memory_space<vmem>>
    %dma_start3A_3 = tpu.memref_squeeze %dma_start3A_2 : memref<1x40xi32, #tpu.memory_space<vmem>> -> memref<40xi32, #tpu.memory_space<vmem>>
    %dma_start3A_4 = arith.constant 0 : i32
    %dma_start3A_5 = arith.constant 0 : i32
    %dma_start3A_6 = tpu.memref_slice %arg2[%dma_start3A_4, %dma_start3A_5] : memref<10000x128xf32, #tpu.memory_space<hbm>> -> memref<10000x128xf32, #tpu.memory_space<hbm>>
    tpu.enqueue_indirect_dma source(%dma_start3A_6 : memref<10000x128xf32, #tpu.memory_space<hbm>>) target(%arg12 : memref<40x128xf32, #tpu.memory_space<vmem>>) offsets(%dma_start3A_3 : memref<40xi32, #tpu.memory_space<vmem>>) semaphore(%arg18 : memref<!tpu.dma_semaphore, #tpu.memory_space<semaphore_mem>>)
    %dma_start3A_7 = arith.constant 1 : i32
    %dma_start3A_8 = arith.constant 0 : i32
    %dma_start3A_9 = tpu.memref_slice %arg10[%dma_start3A_7, %dma_start3A_8] : memref<250x40xi32, #tpu.memory_space<vmem>> -> memref<1x40xi32, #tpu.memory_space<vmem>>
    %dma_start3A_10 = tpu.memref_squeeze %dma_start3A_9 : memref<1x40xi32, #tpu.memory_space<vmem>> -> memref<40xi32, #tpu.memory_space<vmem>>
    %dma_start3A_11 = arith.constant 0 : i32
    %dma_start3A_12 = arith.constant 0 : i32
    %dma_start3A_13 = tpu.memref_slice %arg2[%dma_start3A_11, %dma_start3A_12] : memref<10000x128xf32, #tpu.memory_space<hbm>> -> memref<10000x128xf32, #tpu.memory_space<hbm>>
    tpu.enqueue_indirect_dma source(%dma_start3A_13 : memref<10000x128xf32, #tpu.memory_space<hbm>>) target(%arg13 : memref<40x128xf32, #tpu.memory_space<vmem>>) offsets(%dma_start3A_10 : memref<40xi32, #tpu.memory_space<vmem>>) semaphore(%arg19 : memref<!tpu.dma_semaphore, #tpu.memory_space<semaphore_mem>>)
    %dma_start3A_14 = arith.constant 2 : i32
    %dma_start3A_15 = arith.constant 0 : i32
    %dma_start3A_16 = tpu.memref_slice %arg10[%dma_start3A_14, %dma_start3A_15] : memref<250x40xi32, #tpu.memory_space<vmem>> -> memref<1x40xi32, #tpu.memory_space<vmem>>
    %dma_start3A_17 = tpu.memref_squeeze %dma_start3A_16 : memref<1x40xi32, #tpu.memory_space<vmem>> -> memref<40xi32, #tpu.memory_space<vmem>>
    %dma_start3A_18 = arith.constant 0 : i32
    %dma_start3A_19 = arith.constant 0 : i32
    %dma_start3A_20 = tpu.memref_slice %arg2[%dma_start3A_18, %dma_start3A_19] : memref<10000x128xf32, #tpu.memory_space<hbm>> -> memref<10000x128xf32, #tpu.memory_space<hbm>>
    tpu.enqueue_indirect_dma source(%dma_start3A_20 : memref<10000x128xf32, #tpu.memory_space<hbm>>) target(%arg14 : memref<40x128xf32, #tpu.memory_space<vmem>>) offsets(%dma_start3A_17 : memref<40xi32, #tpu.memory_space<vmem>>) semaphore(%arg20 : memref<!tpu.dma_semaphore, #tpu.memory_space<semaphore_mem>>)
    %dma_start3A_21 = arith.constant 0 : i32
    %dma_start3A_22 = arith.constant 0 : i32
    %dma_start3A_23 = tpu.memref_slice %arg4[%add3A, %dma_start3A_21, %dma_start3A_22] : memref<32x250x40xi32, #tpu.memory_space<hbm>> -> memref<1x250x40xi32, #tpu.memory_space<hbm>>
    %dma_start3A_24 = tpu.memref_squeeze %dma_start3A_23 : memref<1x250x40xi32, #tpu.memory_space<hbm>> -> memref<250x40xi32, #tpu.memory_space<hbm>>
    %dma_start3A_25 = arith.constant 0 : i32
    %dma_start3A_26 = arith.constant 0 : i32
    %dma_start3A_27 = tpu.memref_slice %arg4[%add3A, %dma_start3A_25, %dma_start3A_26] : memref<32x250x40xi32, #tpu.memory_space<hbm>> -> memref<1x250x40xi32, #tpu.memory_space<hbm>>
    %dma_start3A_28 = tpu.memref_squeeze %dma_start3A_27 : memref<1x250x40xi32, #tpu.memory_space<hbm>> -> memref<250x40xi32, #tpu.memory_space<hbm>>
    tpu.enqueue_dma source(%dma_start3A_28 : memref<250x40xi32, #tpu.memory_space<hbm>>) target(%arg11 : memref<250x40xi32, #tpu.memory_space<vmem>>) target_semaphore(%arg22 : memref<!tpu.dma_semaphore, #tpu.memory_space<semaphore_mem>>)
    tpu.enqueue_dma source(%arg7 : memref<40x8xf32, #tpu.memory_space<hbm>>) target(%arg15 : memref<40x8xf32, #tpu.memory_space<vmem>>) target_semaphore(%arg22 : memref<!tpu.dma_semaphore, #tpu.memory_space<semaphore_mem>>)
    %mul3A_29 = arith.constant 632 : i32
    %mul3A_30 = arith.muli %arg1, %mul3A_29 : i32
    %dma_start3A_31 = arith.constant 0 : i32
    %dma_start3A_32 = tpu.memref_slice %arg16[%mul3A_30, %dma_start3A_31] : memref<10112x128xf32, #tpu.memory_space<vmem_shared>> -> memref<632x128xf32, #tpu.memory_space<vmem_shared>>
    tpu.enqueue_dma source(%arg5 : memref<632x128xf32, #tpu.memory_space<hbm>>) target(%dma_start3A_32 : memref<632x128xf32, #tpu.memory_space<vmem_shared>>) target_semaphore(%arg22 : memref<!tpu.dma_semaphore, #tpu.memory_space<semaphore_mem>>)
    %mul3A_33 = arith.constant 632 : i32
    %mul3A_34 = arith.muli %arg1, %mul3A_33 : i32
    %dma_start3A_35 = arith.constant 0 : i32
    %dma_start3A_36 = tpu.memref_slice %arg17[%mul3A_34, %dma_start3A_35] : memref<10112x8xf32, #tpu.memory_space<vmem_shared>> -> memref<632x8xf32, #tpu.memory_space<vmem_shared>>
    tpu.enqueue_dma source(%arg6 : memref<632x8xf32, #tpu.memory_space<hbm>>) target(%dma_start3A_36 : memref<632x8xf32, #tpu.memory_space<vmem_shared>>) target_semaphore(%arg22 : memref<!tpu.dma_semaphore, #tpu.memory_space<semaphore_mem>>)
    %dma_wait3A = arith.constant 0 : i32
    %dma_wait3A_37 = arith.constant 0 : i32
    %dma_wait3A_38 = tpu.memref_slice %arg4[%add3A, %dma_wait3A, %dma_wait3A_37] : memref<32x250x40xi32, #tpu.memory_space<hbm>> -> memref<1x250x40xi32, #tpu.memory_space<hbm>>
    %dma_wait3A_39 = tpu.memref_squeeze %dma_wait3A_38 : memref<1x250x40xi32, #tpu.memory_space<hbm>> -> memref<250x40xi32, #tpu.memory_space<hbm>>
    %dma_wait3A_40 = arith.constant 0 : i32
    %dma_wait3A_41 = arith.constant 0 : i32
    %dma_wait3A_42 = tpu.memref_slice %arg4[%add3A, %dma_wait3A_40, %dma_wait3A_41] : memref<32x250x40xi32, #tpu.memory_space<hbm>> -> memref<1x250x40xi32, #tpu.memory_space<hbm>>
    %dma_wait3A_43 = tpu.memref_squeeze %dma_wait3A_42 : memref<1x250x40xi32, #tpu.memory_space<hbm>> -> memref<250x40xi32, #tpu.memory_space<hbm>>
    tpu.wait_dma2 semaphore(%arg22 : memref<!tpu.dma_semaphore, #tpu.memory_space<semaphore_mem>>) src(%dma_wait3A_43 : memref<250x40xi32, #tpu.memory_space<hbm>>) dst(%arg11 : memref<250x40xi32, #tpu.memory_space<vmem>>)
    tpu.wait_dma2 semaphore(%arg22 : memref<!tpu.dma_semaphore, #tpu.memory_space<semaphore_mem>>) src(%arg7 : memref<40x8xf32, #tpu.memory_space<hbm>>) dst(%arg15 : memref<40x8xf32, #tpu.memory_space<vmem>>)
    %mul3A_44 = arith.constant 632 : i32
    %mul3A_45 = arith.muli %arg1, %mul3A_44 : i32
    %dma_wait3A_46 = arith.constant 0 : i32
    %dma_wait3A_47 = tpu.memref_slice %arg16[%mul3A_45, %dma_wait3A_46] : memref<10112x128xf32, #tpu.memory_space<vmem_shared>> -> memref<632x128xf32, #tpu.memory_space<vmem_shared>>
    tpu.wait_dma2 semaphore(%arg22 : memref<!tpu.dma_semaphore, #tpu.memory_space<semaphore_mem>>) src(%arg5 : memref<632x128xf32, #tpu.memory_space<hbm>>) dst(%dma_wait3A_47 : memref<632x128xf32, #tpu.memory_space<vmem_shared>>)
    %mul3A_48 = arith.constant 632 : i32
    %mul3A_49 = arith.muli %arg1, %mul3A_48 : i32
    %dma_wait3A_50 = arith.constant 0 : i32
    %dma_wait3A_51 = tpu.memref_slice %arg17[%mul3A_49, %dma_wait3A_50] : memref<10112x8xf32, #tpu.memory_space<vmem_shared>> -> memref<632x8xf32, #tpu.memory_space<vmem_shared>>
    tpu.wait_dma2 semaphore(%arg22 : memref<!tpu.dma_semaphore, #tpu.memory_space<semaphore_mem>>) src(%arg6 : memref<632x8xf32, #tpu.memory_space<hbm>>) dst(%dma_wait3A_51 : memref<632x8xf32, #tpu.memory_space<vmem_shared>>)
    %barrier3A = arith.constant 0 : index
    tpu.barrier barrier_id(%barrier3A)
    %scan3A = arith.constant 0 : i32
    %scan3A_52 = arith.constant 0 : i32
    %scan3A_53 = arith.constant 83 : i32
    %scan3A_54 = arith.addi %scan3A_52, %scan3A_53 : i32
    %scan3A_55 = arith.constant 1 : i32
    scf.for %scan3A_86 = %scan3A_52 to %scan3A_54 step %scan3A_55  : i32 {
      %mul3A_87 = arith.constant 3 : i32
      %mul3A_88 = arith.muli %mul3A_87, %scan3A_86 : i32
      %dma_wait3A_89 = arith.constant 0 : i32
      %dma_wait3A_90 = arith.constant 0 : i32
      %dma_wait3A_91 = tpu.memref_slice %arg10[%dma_wait3A_89, %dma_wait3A_90] : memref<250x40xi32, #tpu.memory_space<vmem>> -> memref<1x40xi32, #tpu.memory_space<vmem>>
      %dma_wait3A_92 = tpu.memref_squeeze %dma_wait3A_91 : memref<1x40xi32, #tpu.memory_space<vmem>> -> memref<40xi32, #tpu.memory_space<vmem>>
      %dma_wait3A_93 = arith.constant 0 : i32
      %dma_wait3A_94 = arith.constant 0 : i32
      %dma_wait3A_95 = tpu.memref_slice %arg2[%dma_wait3A_93, %dma_wait3A_94] : memref<10000x128xf32, #tpu.memory_space<hbm>> -> memref<10000x128xf32, #tpu.memory_space<hbm>>
      tpu.wait_indirect_dma semaphore(%arg18 : memref<!tpu.dma_semaphore, #tpu.memory_space<semaphore_mem>>) src(%dma_wait3A_95 : memref<10000x128xf32, #tpu.memory_space<hbm>>) dst(%arg12 : memref<40x128xf32, #tpu.memory_space<vmem>>)
      "tpu.region"() ({
        %run_scoped3A_150 = tpu.sem_alloc : memref<!tpu.dma_semaphore, #tpu.memory_space<semaphore_mem>>
        %dma_start3A_151 = arith.constant 0 : i32
        %dma_start3A_152 = tpu.memref_slice %arg11[%mul3A_88, %dma_start3A_151] : memref<250x40xi32, #tpu.memory_space<vmem>> -> memref<1x40xi32, #tpu.memory_space<vmem>>
        %dma_start3A_153 = tpu.memref_squeeze %dma_start3A_152 : memref<1x40xi32, #tpu.memory_space<vmem>> -> memref<40xi32, #tpu.memory_space<vmem>>
        %dma_start3A_154 = arith.constant 0 : i32
        %dma_start3A_155 = arith.constant 0 : i32
        %dma_start3A_156 = tpu.memref_slice %arg16[%dma_start3A_154, %dma_start3A_155] : memref<10112x128xf32, #tpu.memory_space<vmem_shared>> -> memref<10112x128xf32, #tpu.memory_space<vmem_shared>>
        tpu.enqueue_indirect_dma source(%arg12 : memref<40x128xf32, #tpu.memory_space<vmem>>) target(%dma_start3A_156 : memref<10112x128xf32, #tpu.memory_space<vmem_shared>>) offsets(%dma_start3A_153 : memref<40xi32, #tpu.memory_space<vmem>>) semaphore(%run_scoped3A_150 : memref<!tpu.dma_semaphore, #tpu.memory_space<semaphore_mem>>) {add = true}
        %dma_wait3A_157 = arith.constant 0 : i32
        %dma_wait3A_158 = tpu.memref_slice %arg11[%mul3A_88, %dma_wait3A_157] : memref<250x40xi32, #tpu.memory_space<vmem>> -> memref<1x40xi32, #tpu.memory_space<vmem>>
        %dma_wait3A_159 = tpu.memref_squeeze %dma_wait3A_158 : memref<1x40xi32, #tpu.memory_space<vmem>> -> memref<40xi32, #tpu.memory_space<vmem>>
        %dma_wait3A_160 = arith.constant 0 : i32
        %dma_wait3A_161 = arith.constant 0 : i32
        %dma_wait3A_162 = tpu.memref_slice %arg16[%dma_wait3A_160, %dma_wait3A_161] : memref<10112x128xf32, #tpu.memory_space<vmem_shared>> -> memref<10112x128xf32, #tpu.memory_space<vmem_shared>>
        tpu.wait_indirect_dma semaphore(%run_scoped3A_150 : memref<!tpu.dma_semaphore, #tpu.memory_space<semaphore_mem>>) src(%arg12 : memref<40x128xf32, #tpu.memory_space<vmem>>) dst(%dma_wait3A_162 : memref<10112x128xf32, #tpu.memory_space<vmem_shared>>)
        tpu.yield
      }) : () -> ()
      %dma_start3A_96 = arith.constant 0 : i32
      %dma_start3A_97 = tpu.memref_slice %arg11[%mul3A_88, %dma_start3A_96] : memref<250x40xi32, #tpu.memory_space<vmem>> -> memref<1x40xi32, #tpu.memory_space<vmem>>
      %dma_start3A_98 = tpu.memref_squeeze %dma_start3A_97 : memref<1x40xi32, #tpu.memory_space<vmem>> -> memref<40xi32, #tpu.memory_space<vmem>>
      %dma_start3A_99 = arith.constant 0 : i32
      %dma_start3A_100 = arith.constant 0 : i32
      %dma_start3A_101 = tpu.memref_slice %arg17[%dma_start3A_99, %dma_start3A_100] : memref<10112x8xf32, #tpu.memory_space<vmem_shared>> -> memref<10112x8xf32, #tpu.memory_space<vmem_shared>>
      tpu.enqueue_indirect_dma source(%arg15 : memref<40x8xf32, #tpu.memory_space<vmem>>) target(%dma_start3A_101 : memref<10112x8xf32, #tpu.memory_space<vmem_shared>>) offsets(%dma_start3A_98 : memref<40xi32, #tpu.memory_space<vmem>>) semaphore(%arg21 : memref<!tpu.dma_semaphore, #tpu.memory_space<semaphore_mem>>) {add = true}
      %add3A_102 = arith.constant 3 : i32
      %add3A_103 = arith.addi %mul3A_88, %add3A_102 : i32
      %lt3A = arith.constant 250 : i32
      %lt3A_104 = arith.cmpi slt, %add3A_103, %lt3A : i32
      %convert_element_type3A = arith.extui %lt3A_104 : i1 to i32
      %cond3A = arith.constant 0 : i32
      %cond3A_105 = arith.cmpi ne, %convert_element_type3A, %cond3A : i32
      scf.if %cond3A_105 {
        %add3A_150 = arith.constant 3 : i32
        %add3A_151 = arith.addi %mul3A_88, %add3A_150 : i32
        %dma_start3A_152 = arith.constant 0 : i32
        %dma_start3A_153 = tpu.memref_slice %arg10[%add3A_151, %dma_start3A_152] : memref<250x40xi32, #tpu.memory_space<vmem>> -> memref<1x40xi32, #tpu.memory_space<vmem>>
        %dma_start3A_154 = tpu.memref_squeeze %dma_start3A_153 : memref<1x40xi32, #tpu.memory_space<vmem>> -> memref<40xi32, #tpu.memory_space<vmem>>
        %dma_start3A_155 = arith.constant 0 : i32
        %dma_start3A_156 = arith.constant 0 : i32
        %dma_start3A_157 = tpu.memref_slice %arg2[%dma_start3A_155, %dma_start3A_156] : memref<10000x128xf32, #tpu.memory_space<hbm>> -> memref<10000x128xf32, #tpu.memory_space<hbm>>
        tpu.enqueue_indirect_dma source(%dma_start3A_157 : memref<10000x128xf32, #tpu.memory_space<hbm>>) target(%arg12 : memref<40x128xf32, #tpu.memory_space<vmem>>) offsets(%dma_start3A_154 : memref<40xi32, #tpu.memory_space<vmem>>) semaphore(%arg18 : memref<!tpu.dma_semaphore, #tpu.memory_space<semaphore_mem>>)
      } else {
      }
      %dma_wait3A_106 = arith.constant 0 : i32
      %dma_wait3A_107 = arith.constant 0 : i32
      %dma_wait3A_108 = tpu.memref_slice %arg10[%dma_wait3A_106, %dma_wait3A_107] : memref<250x40xi32, #tpu.memory_space<vmem>> -> memref<1x40xi32, #tpu.memory_space<vmem>>
      %dma_wait3A_109 = tpu.memref_squeeze %dma_wait3A_108 : memref<1x40xi32, #tpu.memory_space<vmem>> -> memref<40xi32, #tpu.memory_space<vmem>>
      %dma_wait3A_110 = arith.constant 0 : i32
      %dma_wait3A_111 = arith.constant 0 : i32
      %dma_wait3A_112 = tpu.memref_slice %arg2[%dma_wait3A_110, %dma_wait3A_111] : memref<10000x128xf32, #tpu.memory_space<hbm>> -> memref<10000x128xf32, #tpu.memory_space<hbm>>
      tpu.wait_indirect_dma semaphore(%arg19 : memref<!tpu.dma_semaphore, #tpu.memory_space<semaphore_mem>>) src(%dma_wait3A_112 : memref<10000x128xf32, #tpu.memory_space<hbm>>) dst(%arg13 : memref<40x128xf32, #tpu.memory_space<vmem>>)
      %add3A_113 = arith.constant 1 : i32
      %add3A_114 = arith.addi %mul3A_88, %add3A_113 : i32
      "tpu.region"() ({
        %run_scoped3A_150 = tpu.sem_alloc : memref<!tpu.dma_semaphore, #tpu.memory_space<semaphore_mem>>
        %dma_start3A_151 = arith.constant 0 : i32
        %dma_start3A_152 = tpu.memref_slice %arg11[%add3A_114, %dma_start3A_151] : memref<250x40xi32, #tpu.memory_space<vmem>> -> memref<1x40xi32, #tpu.memory_space<vmem>>
        %dma_start3A_153 = tpu.memref_squeeze %dma_start3A_152 : memref<1x40xi32, #tpu.memory_space<vmem>> -> memref<40xi32, #tpu.memory_space<vmem>>
        %dma_start3A_154 = arith.constant 0 : i32
        %dma_start3A_155 = arith.constant 0 : i32
        %dma_start3A_156 = tpu.memref_slice %arg16[%dma_start3A_154, %dma_start3A_155] : memref<10112x128xf32, #tpu.memory_space<vmem_shared>> -> memref<10112x128xf32, #tpu.memory_space<vmem_shared>>
        tpu.enqueue_indirect_dma source(%arg13 : memref<40x128xf32, #tpu.memory_space<vmem>>) target(%dma_start3A_156 : memref<10112x128xf32, #tpu.memory_space<vmem_shared>>) offsets(%dma_start3A_153 : memref<40xi32, #tpu.memory_space<vmem>>) semaphore(%run_scoped3A_150 : memref<!tpu.dma_semaphore, #tpu.memory_space<semaphore_mem>>) {add = true}
        %dma_wait3A_157 = arith.constant 0 : i32
        %dma_wait3A_158 = tpu.memref_slice %arg11[%add3A_114, %dma_wait3A_157] : memref<250x40xi32, #tpu.memory_space<vmem>> -> memref<1x40xi32, #tpu.memory_space<vmem>>
        %dma_wait3A_159 = tpu.memref_squeeze %dma_wait3A_158 : memref<1x40xi32, #tpu.memory_space<vmem>> -> memref<40xi32, #tpu.memory_space<vmem>>
        %dma_wait3A_160 = arith.constant 0 : i32
        %dma_wait3A_161 = arith.constant 0 : i32
        %dma_wait3A_162 = tpu.memref_slice %arg16[%dma_wait3A_160, %dma_wait3A_161] : memref<10112x128xf32, #tpu.memory_space<vmem_shared>> -> memref<10112x128xf32, #tpu.memory_space<vmem_shared>>
        tpu.wait_indirect_dma semaphore(%run_scoped3A_150 : memref<!tpu.dma_semaphore, #tpu.memory_space<semaphore_mem>>) src(%arg13 : memref<40x128xf32, #tpu.memory_space<vmem>>) dst(%dma_wait3A_162 : memref<10112x128xf32, #tpu.memory_space<vmem_shared>>)
        tpu.yield
      }) : () -> ()
      %dma_start3A_115 = arith.constant 0 : i32
      %dma_start3A_116 = tpu.memref_slice %arg11[%add3A_114, %dma_start3A_115] : memref<250x40xi32, #tpu.memory_space<vmem>> -> memref<1x40xi32, #tpu.memory_space<vmem>>
      %dma_start3A_117 = tpu.memref_squeeze %dma_start3A_116 : memref<1x40xi32, #tpu.memory_space<vmem>> -> memref<40xi32, #tpu.memory_space<vmem>>
      %dma_start3A_118 = arith.constant 0 : i32
      %dma_start3A_119 = arith.constant 0 : i32
      %dma_start3A_120 = tpu.memref_slice %arg17[%dma_start3A_118, %dma_start3A_119] : memref<10112x8xf32, #tpu.memory_space<vmem_shared>> -> memref<10112x8xf32, #tpu.memory_space<vmem_shared>>
      tpu.enqueue_indirect_dma source(%arg15 : memref<40x8xf32, #tpu.memory_space<vmem>>) target(%dma_start3A_120 : memref<10112x8xf32, #tpu.memory_space<vmem_shared>>) offsets(%dma_start3A_117 : memref<40xi32, #tpu.memory_space<vmem>>) semaphore(%arg21 : memref<!tpu.dma_semaphore, #tpu.memory_space<semaphore_mem>>) {add = true}
      %add3A_121 = arith.constant 4 : i32
      %add3A_122 = arith.addi %mul3A_88, %add3A_121 : i32
      %lt3A_123 = arith.constant 250 : i32
      %lt3A_124 = arith.cmpi slt, %add3A_122, %lt3A_123 : i32
      %convert_element_type3A_125 = arith.extui %lt3A_124 : i1 to i32
      %cond3A_126 = arith.constant 0 : i32
      %cond3A_127 = arith.cmpi ne, %convert_element_type3A_125, %cond3A_126 : i32
      scf.if %cond3A_127 {
        %add3A_150 = arith.constant 4 : i32
        %add3A_151 = arith.addi %mul3A_88, %add3A_150 : i32
        %dma_start3A_152 = arith.constant 0 : i32
        %dma_start3A_153 = tpu.memref_slice %arg10[%add3A_151, %dma_start3A_152] : memref<250x40xi32, #tpu.memory_space<vmem>> -> memref<1x40xi32, #tpu.memory_space<vmem>>
        %dma_start3A_154 = tpu.memref_squeeze %dma_start3A_153 : memref<1x40xi32, #tpu.memory_space<vmem>> -> memref<40xi32, #tpu.memory_space<vmem>>
        %dma_start3A_155 = arith.constant 0 : i32
        %dma_start3A_156 = arith.constant 0 : i32
        %dma_start3A_157 = tpu.memref_slice %arg2[%dma_start3A_155, %dma_start3A_156] : memref<10000x128xf32, #tpu.memory_space<hbm>> -> memref<10000x128xf32, #tpu.memory_space<hbm>>
        tpu.enqueue_indirect_dma source(%dma_start3A_157 : memref<10000x128xf32, #tpu.memory_space<hbm>>) target(%arg13 : memref<40x128xf32, #tpu.memory_space<vmem>>) offsets(%dma_start3A_154 : memref<40xi32, #tpu.memory_space<vmem>>) semaphore(%arg19 : memref<!tpu.dma_semaphore, #tpu.memory_space<semaphore_mem>>)
      } else {
      }
      %dma_wait3A_128 = arith.constant 0 : i32
      %dma_wait3A_129 = arith.constant 0 : i32
      %dma_wait3A_130 = tpu.memref_slice %arg10[%dma_wait3A_128, %dma_wait3A_129] : memref<250x40xi32, #tpu.memory_space<vmem>> -> memref<1x40xi32, #tpu.memory_space<vmem>>
      %dma_wait3A_131 = tpu.memref_squeeze %dma_wait3A_130 : memref<1x40xi32, #tpu.memory_space<vmem>> -> memref<40xi32, #tpu.memory_space<vmem>>
      %dma_wait3A_132 = arith.constant 0 : i32
      %dma_wait3A_133 = arith.constant 0 : i32
      %dma_wait3A_134 = tpu.memref_slice %arg2[%dma_wait3A_132, %dma_wait3A_133] : memref<10000x128xf32, #tpu.memory_space<hbm>> -> memref<10000x128xf32, #tpu.memory_space<hbm>>
      tpu.wait_indirect_dma semaphore(%arg20 : memref<!tpu.dma_semaphore, #tpu.memory_space<semaphore_mem>>) src(%dma_wait3A_134 : memref<10000x128xf32, #tpu.memory_space<hbm>>) dst(%arg14 : memref<40x128xf32, #tpu.memory_space<vmem>>)
      %add3A_135 = arith.constant 2 : i32
      %add3A_136 = arith.addi %mul3A_88, %add3A_135 : i32
      "tpu.region"() ({
        %run_scoped3A_150 = tpu.sem_alloc : memref<!tpu.dma_semaphore, #tpu.memory_space<semaphore_mem>>
        %dma_start3A_151 = arith.constant 0 : i32
        %dma_start3A_152 = tpu.memref_slice %arg11[%add3A_136, %dma_start3A_151] : memref<250x40xi32, #tpu.memory_space<vmem>> -> memref<1x40xi32, #tpu.memory_space<vmem>>
        %dma_start3A_153 = tpu.memref_squeeze %dma_start3A_152 : memref<1x40xi32, #tpu.memory_space<vmem>> -> memref<40xi32, #tpu.memory_space<vmem>>
        %dma_start3A_154 = arith.constant 0 : i32
        %dma_start3A_155 = arith.constant 0 : i32
        %dma_start3A_156 = tpu.memref_slice %arg16[%dma_start3A_154, %dma_start3A_155] : memref<10112x128xf32, #tpu.memory_space<vmem_shared>> -> memref<10112x128xf32, #tpu.memory_space<vmem_shared>>
        tpu.enqueue_indirect_dma source(%arg14 : memref<40x128xf32, #tpu.memory_space<vmem>>) target(%dma_start3A_156 : memref<10112x128xf32, #tpu.memory_space<vmem_shared>>) offsets(%dma_start3A_153 : memref<40xi32, #tpu.memory_space<vmem>>) semaphore(%run_scoped3A_150 : memref<!tpu.dma_semaphore, #tpu.memory_space<semaphore_mem>>) {add = true}
        %dma_wait3A_157 = arith.constant 0 : i32
        %dma_wait3A_158 = tpu.memref_slice %arg11[%add3A_136, %dma_wait3A_157] : memref<250x40xi32, #tpu.memory_space<vmem>> -> memref<1x40xi32, #tpu.memory_space<vmem>>
        %dma_wait3A_159 = tpu.memref_squeeze %dma_wait3A_158 : memref<1x40xi32, #tpu.memory_space<vmem>> -> memref<40xi32, #tpu.memory_space<vmem>>
        %dma_wait3A_160 = arith.constant 0 : i32
        %dma_wait3A_161 = arith.constant 0 : i32
        %dma_wait3A_162 = tpu.memref_slice %arg16[%dma_wait3A_160, %dma_wait3A_161] : memref<10112x128xf32, #tpu.memory_space<vmem_shared>> -> memref<10112x128xf32, #tpu.memory_space<vmem_shared>>
        tpu.wait_indirect_dma semaphore(%run_scoped3A_150 : memref<!tpu.dma_semaphore, #tpu.memory_space<semaphore_mem>>) src(%arg14 : memref<40x128xf32, #tpu.memory_space<vmem>>) dst(%dma_wait3A_162 : memref<10112x128xf32, #tpu.memory_space<vmem_shared>>)
        tpu.yield
      }) : () -> ()
      %dma_start3A_137 = arith.constant 0 : i32
      %dma_start3A_138 = tpu.memref_slice %arg11[%add3A_136, %dma_start3A_137] : memref<250x40xi32, #tpu.memory_space<vmem>> -> memref<1x40xi32, #tpu.memory_space<vmem>>
      %dma_start3A_139 = tpu.memref_squeeze %dma_start3A_138 : memref<1x40xi32, #tpu.memory_space<vmem>> -> memref<40xi32, #tpu.memory_space<vmem>>
      %dma_start3A_140 = arith.constant 0 : i32
      %dma_start3A_141 = arith.constant 0 : i32
      %dma_start3A_142 = tpu.memref_slice %arg17[%dma_start3A_140, %dma_start3A_141] : memref<10112x8xf32, #tpu.memory_space<vmem_shared>> -> memref<10112x8xf32, #tpu.memory_space<vmem_shared>>
      tpu.enqueue_indirect_dma source(%arg15 : memref<40x8xf32, #tpu.memory_space<vmem>>) target(%dma_start3A_142 : memref<10112x8xf32, #tpu.memory_space<vmem_shared>>) offsets(%dma_start3A_139 : memref<40xi32, #tpu.memory_space<vmem>>) semaphore(%arg21 : memref<!tpu.dma_semaphore, #tpu.memory_space<semaphore_mem>>) {add = true}
      %add3A_143 = arith.constant 5 : i32
      %add3A_144 = arith.addi %mul3A_88, %add3A_143 : i32
      %lt3A_145 = arith.constant 250 : i32
      %lt3A_146 = arith.cmpi slt, %add3A_144, %lt3A_145 : i32
      %convert_element_type3A_147 = arith.extui %lt3A_146 : i1 to i32
      %cond3A_148 = arith.constant 0 : i32
      %cond3A_149 = arith.cmpi ne, %convert_element_type3A_147, %cond3A_148 : i32
      scf.if %cond3A_149 {
        %add3A_150 = arith.constant 5 : i32
        %add3A_151 = arith.addi %mul3A_88, %add3A_150 : i32
        %dma_start3A_152 = arith.constant 0 : i32
        %dma_start3A_153 = tpu.memref_slice %arg10[%add3A_151, %dma_start3A_152] : memref<250x40xi32, #tpu.memory_space<vmem>> -> memref<1x40xi32, #tpu.memory_space<vmem>>
        %dma_start3A_154 = tpu.memref_squeeze %dma_start3A_153 : memref<1x40xi32, #tpu.memory_space<vmem>> -> memref<40xi32, #tpu.memory_space<vmem>>
        %dma_start3A_155 = arith.constant 0 : i32
        %dma_start3A_156 = arith.constant 0 : i32
        %dma_start3A_157 = tpu.memref_slice %arg2[%dma_start3A_155, %dma_start3A_156] : memref<10000x128xf32, #tpu.memory_space<hbm>> -> memref<10000x128xf32, #tpu.memory_space<hbm>>
        tpu.enqueue_indirect_dma source(%dma_start3A_157 : memref<10000x128xf32, #tpu.memory_space<hbm>>) target(%arg14 : memref<40x128xf32, #tpu.memory_space<vmem>>) offsets(%dma_start3A_154 : memref<40xi32, #tpu.memory_space<vmem>>) semaphore(%arg20 : memref<!tpu.dma_semaphore, #tpu.memory_space<semaphore_mem>>)
      } else {
      }
    }
    %scan3A_56 = arith.constant 83 : i32
    %dma_wait3A_57 = arith.constant 0 : i32
    %dma_wait3A_58 = arith.constant 0 : i32
    %dma_wait3A_59 = tpu.memref_slice %arg10[%dma_wait3A_57, %dma_wait3A_58] : memref<250x40xi32, #tpu.memory_space<vmem>> -> memref<1x40xi32, #tpu.memory_space<vmem>>
    %dma_wait3A_60 = tpu.memref_squeeze %dma_wait3A_59 : memref<1x40xi32, #tpu.memory_space<vmem>> -> memref<40xi32, #tpu.memory_space<vmem>>
    %dma_wait3A_61 = arith.constant 0 : i32
    %dma_wait3A_62 = arith.constant 0 : i32
    %dma_wait3A_63 = tpu.memref_slice %arg2[%dma_wait3A_61, %dma_wait3A_62] : memref<10000x128xf32, #tpu.memory_space<hbm>> -> memref<10000x128xf32, #tpu.memory_space<hbm>>
    tpu.wait_indirect_dma semaphore(%arg18 : memref<!tpu.dma_semaphore, #tpu.memory_space<semaphore_mem>>) src(%dma_wait3A_63 : memref<10000x128xf32, #tpu.memory_space<hbm>>) dst(%arg12 : memref<40x128xf32, #tpu.memory_space<vmem>>)
    %run_scoped3A = arith.constant 249 : i32
    "tpu.region"() ({
      %run_scoped3A_86 = tpu.sem_alloc : memref<!tpu.dma_semaphore, #tpu.memory_space<semaphore_mem>>
      %dma_start3A_87 = arith.constant 0 : i32
      %dma_start3A_88 = tpu.memref_slice %arg11[%run_scoped3A, %dma_start3A_87] : memref<250x40xi32, #tpu.memory_space<vmem>> -> memref<1x40xi32, #tpu.memory_space<vmem>>
      %dma_start3A_89 = tpu.memref_squeeze %dma_start3A_88 : memref<1x40xi32, #tpu.memory_space<vmem>> -> memref<40xi32, #tpu.memory_space<vmem>>
      %dma_start3A_90 = arith.constant 0 : i32
      %dma_start3A_91 = arith.constant 0 : i32
      %dma_start3A_92 = tpu.memref_slice %arg16[%dma_start3A_90, %dma_start3A_91] : memref<10112x128xf32, #tpu.memory_space<vmem_shared>> -> memref<10112x128xf32, #tpu.memory_space<vmem_shared>>
      tpu.enqueue_indirect_dma source(%arg12 : memref<40x128xf32, #tpu.memory_space<vmem>>) target(%dma_start3A_92 : memref<10112x128xf32, #tpu.memory_space<vmem_shared>>) offsets(%dma_start3A_89 : memref<40xi32, #tpu.memory_space<vmem>>) semaphore(%run_scoped3A_86 : memref<!tpu.dma_semaphore, #tpu.memory_space<semaphore_mem>>) {add = true}
      %dma_wait3A_93 = arith.constant 0 : i32
      %dma_wait3A_94 = tpu.memref_slice %arg11[%run_scoped3A, %dma_wait3A_93] : memref<250x40xi32, #tpu.memory_space<vmem>> -> memref<1x40xi32, #tpu.memory_space<vmem>>
      %dma_wait3A_95 = tpu.memref_squeeze %dma_wait3A_94 : memref<1x40xi32, #tpu.memory_space<vmem>> -> memref<40xi32, #tpu.memory_space<vmem>>
      %dma_wait3A_96 = arith.constant 0 : i32
      %dma_wait3A_97 = arith.constant 0 : i32
      %dma_wait3A_98 = tpu.memref_slice %arg16[%dma_wait3A_96, %dma_wait3A_97] : memref<10112x128xf32, #tpu.memory_space<vmem_shared>> -> memref<10112x128xf32, #tpu.memory_space<vmem_shared>>
      tpu.wait_indirect_dma semaphore(%run_scoped3A_86 : memref<!tpu.dma_semaphore, #tpu.memory_space<semaphore_mem>>) src(%arg12 : memref<40x128xf32, #tpu.memory_space<vmem>>) dst(%dma_wait3A_98 : memref<10112x128xf32, #tpu.memory_space<vmem_shared>>)
      tpu.yield
    }) : () -> ()
    %dma_start3A_64 = arith.constant 249 : i32
    %dma_start3A_65 = arith.constant 0 : i32
    %dma_start3A_66 = tpu.memref_slice %arg11[%dma_start3A_64, %dma_start3A_65] : memref<250x40xi32, #tpu.memory_space<vmem>> -> memref<1x40xi32, #tpu.memory_space<vmem>>
    %dma_start3A_67 = tpu.memref_squeeze %dma_start3A_66 : memref<1x40xi32, #tpu.memory_space<vmem>> -> memref<40xi32, #tpu.memory_space<vmem>>
    %dma_start3A_68 = arith.constant 0 : i32
    %dma_start3A_69 = arith.constant 0 : i32
    %dma_start3A_70 = tpu.memref_slice %arg17[%dma_start3A_68, %dma_start3A_69] : memref<10112x8xf32, #tpu.memory_space<vmem_shared>> -> memref<10112x8xf32, #tpu.memory_space<vmem_shared>>
    tpu.enqueue_indirect_dma source(%arg15 : memref<40x8xf32, #tpu.memory_space<vmem>>) target(%dma_start3A_70 : memref<10112x8xf32, #tpu.memory_space<vmem_shared>>) offsets(%dma_start3A_67 : memref<40xi32, #tpu.memory_space<vmem>>) semaphore(%arg21 : memref<!tpu.dma_semaphore, #tpu.memory_space<semaphore_mem>>) {add = true}
    %scan3A_71 = arith.constant 0 : i32
    %scan3A_72 = arith.constant 0 : i32
    %scan3A_73 = arith.constant 250 : i32
    %scan3A_74 = arith.addi %scan3A_72, %scan3A_73 : i32
    %scan3A_75 = arith.constant 1 : i32
    scf.for %scan3A_86 = %scan3A_72 to %scan3A_74 step %scan3A_75  : i32 {
      %dma_wait3A_87 = arith.constant 0 : i32
      %dma_wait3A_88 = arith.constant 0 : i32
      %dma_wait3A_89 = tpu.memref_slice %arg11[%dma_wait3A_87, %dma_wait3A_88] : memref<250x40xi32, #tpu.memory_space<vmem>> -> memref<1x40xi32, #tpu.memory_space<vmem>>
      %dma_wait3A_90 = tpu.memref_squeeze %dma_wait3A_89 : memref<1x40xi32, #tpu.memory_space<vmem>> -> memref<40xi32, #tpu.memory_space<vmem>>
      %dma_wait3A_91 = arith.constant 0 : i32
      %dma_wait3A_92 = arith.constant 0 : i32
      %dma_wait3A_93 = tpu.memref_slice %arg17[%dma_wait3A_91, %dma_wait3A_92] : memref<10112x8xf32, #tpu.memory_space<vmem_shared>> -> memref<10112x8xf32, #tpu.memory_space<vmem_shared>>
      tpu.wait_indirect_dma semaphore(%arg21 : memref<!tpu.dma_semaphore, #tpu.memory_space<semaphore_mem>>) src(%arg15 : memref<40x8xf32, #tpu.memory_space<vmem>>) dst(%dma_wait3A_93 : memref<10112x8xf32, #tpu.memory_space<vmem_shared>>)
    }
    %scan3A_76 = arith.constant 250 : i32
    %barrier3A_77 = arith.constant 0 : index
    tpu.barrier barrier_id(%barrier3A_77)
    %mul3A_78 = arith.constant 632 : i32
    %mul3A_79 = arith.muli %arg1, %mul3A_78 : i32
    %mul3A_80 = arith.constant 632 : i32
    %mul3A_81 = arith.muli %arg1, %mul3A_80 : i32
    "tpu.region"() ({
      %run_scoped3A_86 = tpu.sem_alloc : memref<!tpu.dma_semaphore, #tpu.memory_space<semaphore_mem>>
      %dma_start3A_87 = arith.constant 0 : i32
      %dma_start3A_88 = tpu.memref_slice %arg8[%arg0, %mul3A_81, %dma_start3A_87] : memref<2x10112x128xf32, #tpu.memory_space<hbm>> -> memref<1x632x128xf32, #tpu.memory_space<hbm>>
      %dma_start3A_89 = tpu.memref_squeeze %dma_start3A_88 : memref<1x632x128xf32, #tpu.memory_space<hbm>> -> memref<632x128xf32, #tpu.memory_space<hbm>>
      %dma_start3A_90 = arith.constant 0 : i32
      %dma_start3A_91 = tpu.memref_slice %arg16[%mul3A_79, %dma_start3A_90] : memref<10112x128xf32, #tpu.memory_space<vmem_shared>> -> memref<632x128xf32, #tpu.memory_space<vmem_shared>>
      tpu.enqueue_dma source(%dma_start3A_91 : memref<632x128xf32, #tpu.memory_space<vmem_shared>>) target(%dma_start3A_89 : memref<632x128xf32, #tpu.memory_space<hbm>>) target_semaphore(%run_scoped3A_86 : memref<!tpu.dma_semaphore, #tpu.memory_space<semaphore_mem>>)
      %dma_wait3A_92 = arith.constant 0 : i32
      %dma_wait3A_93 = tpu.memref_slice %arg8[%arg0, %mul3A_81, %dma_wait3A_92] : memref<2x10112x128xf32, #tpu.memory_space<hbm>> -> memref<1x632x128xf32, #tpu.memory_space<hbm>>
      %dma_wait3A_94 = tpu.memref_squeeze %dma_wait3A_93 : memref<1x632x128xf32, #tpu.memory_space<hbm>> -> memref<632x128xf32, #tpu.memory_space<hbm>>
      %dma_wait3A_95 = arith.constant 0 : i32
      %dma_wait3A_96 = tpu.memref_slice %arg16[%mul3A_79, %dma_wait3A_95] : memref<10112x128xf32, #tpu.memory_space<vmem_shared>> -> memref<632x128xf32, #tpu.memory_space<vmem_shared>>
      tpu.wait_dma2 semaphore(%run_scoped3A_86 : memref<!tpu.dma_semaphore, #tpu.memory_space<semaphore_mem>>) src(%dma_wait3A_96 : memref<632x128xf32, #tpu.memory_space<vmem_shared>>) dst(%dma_wait3A_94 : memref<632x128xf32, #tpu.memory_space<hbm>>)
      tpu.yield
    }) : () -> ()
    %mul3A_82 = arith.constant 632 : i32
    %mul3A_83 = arith.muli %arg1, %mul3A_82 : i32
    %mul3A_84 = arith.constant 632 : i32
    %mul3A_85 = arith.muli %arg1, %mul3A_84 : i32
    "tpu.region"() ({
      %run_scoped3A_86 = tpu.sem_alloc : memref<!tpu.dma_semaphore, #tpu.memory_space<semaphore_mem>>
      %dma_start3A_87 = arith.constant 0 : i32
      %dma_start3A_88 = tpu.memref_slice %arg9[%arg0, %mul3A_85, %dma_start3A_87] : memref<2x10112x8xf32, #tpu.memory_space<hbm>> -> memref<1x632x8xf32, #tpu.memory_space<hbm>>
      %dma_start3A_89 = tpu.memref_squeeze %dma_start3A_88 : memref<1x632x8xf32, #tpu.memory_space<hbm>> -> memref<632x8xf32, #tpu.memory_space<hbm>>
      %dma_start3A_90 = arith.constant 0 : i32
      %dma_start3A_91 = tpu.memref_slice %arg17[%mul3A_83, %dma_start3A_90] : memref<10112x8xf32, #tpu.memory_space<vmem_shared>> -> memref<632x8xf32, #tpu.memory_space<vmem_shared>>
      tpu.enqueue_dma source(%dma_start3A_91 : memref<632x8xf32, #tpu.memory_space<vmem_shared>>) target(%dma_start3A_89 : memref<632x8xf32, #tpu.memory_space<hbm>>) target_semaphore(%run_scoped3A_86 : memref<!tpu.dma_semaphore, #tpu.memory_space<semaphore_mem>>)
      %dma_wait3A_92 = arith.constant 0 : i32
      %dma_wait3A_93 = tpu.memref_slice %arg9[%arg0, %mul3A_85, %dma_wait3A_92] : memref<2x10112x8xf32, #tpu.memory_space<hbm>> -> memref<1x632x8xf32, #tpu.memory_space<hbm>>
      %dma_wait3A_94 = tpu.memref_squeeze %dma_wait3A_93 : memref<1x632x8xf32, #tpu.memory_space<hbm>> -> memref<632x8xf32, #tpu.memory_space<hbm>>
      %dma_wait3A_95 = arith.constant 0 : i32
      %dma_wait3A_96 = tpu.memref_slice %arg17[%mul3A_83, %dma_wait3A_95] : memref<10112x8xf32, #tpu.memory_space<vmem_shared>> -> memref<632x8xf32, #tpu.memory_space<vmem_shared>>
      tpu.wait_dma2 semaphore(%run_scoped3A_86 : memref<!tpu.dma_semaphore, #tpu.memory_space<semaphore_mem>>) src(%dma_wait3A_96 : memref<632x8xf32, #tpu.memory_space<vmem_shared>>) dst(%dma_wait3A_94 : memref<632x8xf32, #tpu.memory_space<hbm>>)
      tpu.yield
    }) : () -> ()
    return
  }
}

module attributes {stable_mosaic.version = 14 : i64} {
  func.func @_tc_stats_body(%arg0: i32, %arg1: memref<1x1xf32, #tpu.memory_space<smem>>, %arg2: memref<2000x128xf32, #tpu.memory_space<vmem>>, %arg3: memref<2x2000x128xf32, #tpu.memory_space<vmem>>, %arg4: memref<2x2000x8xf32, #tpu.memory_space<vmem>>, %arg5: memref<128x128xf32, #tpu.memory_space<vmem>>, %arg6: memref<128x128xf32, #tpu.memory_space<vmem>>, %arg7: memref<1x128xf32, #tpu.memory_space<vmem>>, %arg8: memref<1x128xf32, #tpu.memory_space<vmem>>, %arg9: memref<1x128xf32, #tpu.memory_space<vmem>>, %arg10: memref<2000x128xf32, #tpu.memory_space<vmem>>, %arg11: memref<8x128xf32, #tpu.memory_space<vmem>>, %arg12: memref<8x128xf32, #tpu.memory_space<vmem>>) attributes {dimension_semantics = [#tpu.dimension_semantics<arbitrary>], iteration_bounds = array<i64: 5>, scalar_prefetch = 0 : i64, scratch_operands = 1 : i64, tpu.core_type = #tpu.core_type<tc>, window_params = [{transform_indices = @transform_0, window_bounds = array<i64: 1, 1>}, {transform_indices = @transform_1, window_bounds = array<i64: 2000, 128>}, {transform_indices = @transform_2, window_bounds = array<i64: 2, 2000, 128>}, {transform_indices = @transform_3, window_bounds = array<i64: 2, 2000, 8>}, {pipeline_mode = #tpu.pipeline_mode<synchronous>, transform_indices = @transform_4, window_bounds = array<i64: 128, 128>}, {pipeline_mode = #tpu.pipeline_mode<synchronous>, transform_indices = @transform_5, window_bounds = array<i64: 128, 128>}, {pipeline_mode = #tpu.pipeline_mode<synchronous>, transform_indices = @transform_6, window_bounds = array<i64: 1, 128>}, {pipeline_mode = #tpu.pipeline_mode<synchronous>, transform_indices = @transform_7, window_bounds = array<i64: 1, 128>}, {pipeline_mode = #tpu.pipeline_mode<synchronous>, transform_indices = @transform_8, window_bounds = array<i64: 1, 128>}, {transform_indices = @transform_9, window_bounds = array<i64: 2000, 128>}, {pipeline_mode = #tpu.pipeline_mode<synchronous>, transform_indices = @transform_10, window_bounds = array<i64: 8, 128>}]} {
    %eq3A = arith.constant 0 : i32
    %eq3A_0 = arith.cmpi eq, %arg0, %eq3A : i32
    %convert_element_type3A = arith.extui %eq3A_0 : i1 to i32
    %cond3A = arith.constant 0 : i32
    %cond3A_1 = arith.cmpi ne, %convert_element_type3A, %cond3A : i32
    scf.if %cond3A_1 {
      %broadcast_in_dim3A_73 = arith.constant 0.000000e+00 : f32
      %broadcast_in_dim3A_74 = vector.broadcast %broadcast_in_dim3A_73 : f32 to vector<8x128xf32>
      %swap3A_75 = arith.constant 0 : index
      %swap3A_76 = arith.constant 0 : index
      %swap3A_77 = vector.load %arg12[%swap3A_75, %swap3A_76] : memref<8x128xf32, #tpu.memory_space<vmem>>, vector<8x128xf32>
      tpu.vector_store %arg12[%swap3A_75, %swap3A_76], %broadcast_in_dim3A_74 {strides = array<i32>} : memref<8x128xf32, #tpu.memory_space<vmem>>, vector<8x128xf32>,
      %broadcast_in_dim3A_78 = arith.constant 0.000000e+00 : f32
      %broadcast_in_dim3A_79 = vector.broadcast %broadcast_in_dim3A_78 : f32 to vector<8x128xf32>
      %swap3A_80 = arith.constant 0 : index
      %swap3A_81 = arith.constant 0 : index
      %swap3A_82 = vector.load %arg11[%swap3A_80, %swap3A_81] : memref<8x128xf32, #tpu.memory_space<vmem>>, vector<8x128xf32>
      tpu.vector_store %arg11[%swap3A_80, %swap3A_81], %broadcast_in_dim3A_79 {strides = array<i32>} : memref<8x128xf32, #tpu.memory_space<vmem>>, vector<8x128xf32>,
    } else {
    }
    %get3A = arith.constant 0 : index
    %get3A_2 = arith.constant 0 : index
    %get3A_3 = arith.constant 0 : index
    %get3A_4 = vector.load %arg3[%get3A, %get3A_2, %get3A_3] : memref<2x2000x128xf32, #tpu.memory_space<vmem>>, vector<1x2000x128xf32>
    %get3A_5 = vector.shape_cast %get3A_4 : vector<1x2000x128xf32> to vector<2000x128xf32>
    %get3A_6 = arith.constant 1 : index
    %get3A_7 = arith.constant 0 : index
    %get3A_8 = arith.constant 0 : index
    %get3A_9 = vector.load %arg3[%get3A_6, %get3A_7, %get3A_8] : memref<2x2000x128xf32, #tpu.memory_space<vmem>>, vector<1x2000x128xf32>
    %get3A_10 = vector.shape_cast %get3A_9 : vector<1x2000x128xf32> to vector<2000x128xf32>
    %add3A = arith.addf %get3A_5, %get3A_10 : vector<2000x128xf32>
    %get3A_11 = arith.constant 0 : index
    %get3A_12 = arith.constant 0 : index
    %get3A_13 = memref.load %arg1[%get3A_11, %get3A_12] : memref<1x1xf32, #tpu.memory_space<smem>>
    %add3A_14 = vector.broadcast %get3A_13 : f32 to vector<2000x128xf32>
    %add3A_15 = arith.addf %add3A, %add3A_14 : vector<2000x128xf32>
    %get3A_16 = arith.constant 0 : index
    %get3A_17 = arith.constant 0 : index
    %get3A_18 = arith.constant 0 : index
    %get3A_19 = vector.load %arg4[%get3A_16, %get3A_17, %get3A_18] : memref<2x2000x8xf32, #tpu.memory_space<vmem>>, vector<1x2000x1xf32>
    %get3A_20 = vector.shape_cast %get3A_19 : vector<1x2000x1xf32> to vector<2000x1xf32>
    %get3A_21 = arith.constant 1 : index
    %get3A_22 = arith.constant 0 : index
    %get3A_23 = arith.constant 0 : index
    %get3A_24 = vector.load %arg4[%get3A_21, %get3A_22, %get3A_23] : memref<2x2000x8xf32, #tpu.memory_space<vmem>>, vector<1x2000x1xf32>
    %get3A_25 = vector.shape_cast %get3A_24 : vector<1x2000x1xf32> to vector<2000x1xf32>
    %add3A_26 = arith.addf %get3A_20, %get3A_25 : vector<2000x1xf32>
    %max3A = arith.constant 1.000000e+00 : f32
    %max3A_27 = vector.broadcast %max3A : f32 to vector<2000x1xf32>
    %max3A_28 = arith.maximumf %add3A_26, %max3A_27 : vector<2000x1xf32>
    %div3A = vector.broadcast %max3A_28 : vector<2000x1xf32> to vector<2000x128xf32>
    %div3A_29 = arith.divf %add3A_15, %div3A : vector<2000x128xf32>
    %get3A_30 = arith.constant 0 : index
    %get3A_31 = arith.constant 0 : index
    %get3A_32 = vector.load %arg2[%get3A_30, %get3A_31] : memref<2000x128xf32, #tpu.memory_space<vmem>>, vector<2000x128xf32>
    %get3A_33 = arith.constant 0 : index
    %get3A_34 = arith.constant 0 : index
    %get3A_35 = vector.load %arg5[%get3A_33, %get3A_34] : memref<128x128xf32, #tpu.memory_space<vmem>>, vector<128x128xf32>
    %dot_general3A = arith.constant dense<0.000000e+00> : vector<2000x128xf32>
    %dot_general3A_36 = tpu.matmul %get3A_32, %get3A_35, %dot_general3A {dimension_numbers = #tpu.dot_dimension_numbers<[1], [0], [0], [1], [0, 0, 1, 1], [], []>, transpose_lhs_hint = false} : vector<2000x128xf32>, vector<128x128xf32>, vector<2000x128xf32> -> vector<2000x128xf32>
    %get3A_37 = arith.constant 0 : index
    %get3A_38 = arith.constant 0 : index
    %get3A_39 = vector.load %arg6[%get3A_37, %get3A_38] : memref<128x128xf32, #tpu.memory_space<vmem>>, vector<128x128xf32>
    %dot_general3A_40 = arith.constant dense<0.000000e+00> : vector<2000x128xf32>
    %dot_general3A_41 = tpu.matmul %div3A_29, %get3A_39, %dot_general3A_40 {dimension_numbers = #tpu.dot_dimension_numbers<[1], [0], [0], [1], [0, 0, 1, 1], [], []>, transpose_lhs_hint = false} : vector<2000x128xf32>, vector<128x128xf32>, vector<2000x128xf32> -> vector<2000x128xf32>
    %add3A_42 = arith.addf %dot_general3A_36, %dot_general3A_41 : vector<2000x128xf32>
    %get3A_43 = arith.constant 0 : index
    %get3A_44 = arith.constant 0 : index
    %get3A_45 = vector.load %arg7[%get3A_43, %get3A_44] : memref<1x128xf32, #tpu.memory_space<vmem>>, vector<1x128xf32>
    %add3A_46 = vector.broadcast %get3A_45 : vector<1x128xf32> to vector<2000x128xf32>
    %add3A_47 = arith.addf %add3A_42, %add3A_46 : vector<2000x128xf32>
    %swap3A = arith.constant 0 : index
    %swap3A_48 = arith.constant 0 : index
    %swap3A_49 = vector.load %arg10[%swap3A, %swap3A_48] : memref<2000x128xf32, #tpu.memory_space<vmem>>, vector<2000x128xf32>
    tpu.vector_store %arg10[%swap3A, %swap3A_48], %add3A_47 {strides = array<i32>} : memref<2000x128xf32, #tpu.memory_space<vmem>>, vector<2000x128xf32>,
    %get3A_50 = arith.constant 0 : index
    %get3A_51 = arith.constant 0 : index
    %get3A_52 = vector.load %arg12[%get3A_50, %get3A_51] : memref<8x128xf32, #tpu.memory_space<vmem>>, vector<1x128xf32>
    %reduce_sum3A = arith.constant dense<0.000000e+00> : vector<128xf32>
    %reduce_sum3A_53 = vector.multi_reduction <add>, %add3A_47, %reduce_sum3A [0] : vector<2000x128xf32> to vector<128xf32>
    %broadcast_in_dim3A = vector.shape_cast %reduce_sum3A_53 : vector<128xf32> to vector<1x128xf32>
    %add3A_54 = arith.addf %get3A_52, %broadcast_in_dim3A : vector<1x128xf32>
    %swap3A_55 = arith.constant 0 : index
    %swap3A_56 = arith.constant 0 : index
    %swap3A_57 = vector.load %arg12[%swap3A_55, %swap3A_56] : memref<8x128xf32, #tpu.memory_space<vmem>>, vector<1x128xf32>
    tpu.vector_store %arg12[%swap3A_55, %swap3A_56], %add3A_54 {strides = array<i32>} : memref<8x128xf32, #tpu.memory_space<vmem>>, vector<1x128xf32>,
    %get3A_58 = arith.constant 1 : index
    %get3A_59 = arith.constant 0 : index
    %get3A_60 = vector.load %arg12[%get3A_58, %get3A_59] : memref<8x128xf32, #tpu.memory_space<vmem>>, vector<1x128xf32>
    %mul3A = arith.mulf %add3A_47, %add3A_47 : vector<2000x128xf32>
    %reduce_sum3A_61 = arith.constant dense<0.000000e+00> : vector<128xf32>
    %reduce_sum3A_62 = vector.multi_reduction <add>, %mul3A, %reduce_sum3A_61 [0] : vector<2000x128xf32> to vector<128xf32>
    %broadcast_in_dim3A_63 = vector.shape_cast %reduce_sum3A_62 : vector<128xf32> to vector<1x128xf32>
    %add3A_64 = arith.addf %get3A_60, %broadcast_in_dim3A_63 : vector<1x128xf32>
    %swap3A_65 = arith.constant 1 : index
    %swap3A_66 = arith.constant 0 : index
    %swap3A_67 = vector.load %arg12[%swap3A_65, %swap3A_66] : memref<8x128xf32, #tpu.memory_space<vmem>>, vector<1x128xf32>
    tpu.vector_store %arg12[%swap3A_65, %swap3A_66], %add3A_64 {strides = array<i32>} : memref<8x128xf32, #tpu.memory_space<vmem>>, vector<1x128xf32>,
    %eq3A_68 = arith.constant 4 : i32
    %eq3A_69 = arith.cmpi eq, %arg0, %eq3A_68 : i32
    %convert_element_type3A_70 = arith.extui %eq3A_69 : i1 to i32
    %cond3A_71 = arith.constant 0 : i32
    %cond3A_72 = arith.cmpi ne, %convert_element_type3A_70, %cond3A_71 : i32
    scf.if %cond3A_72 {
      %get3A_73 = arith.constant 0 : index
      %get3A_74 = arith.constant 0 : index
      %get3A_75 = vector.load %arg12[%get3A_73, %get3A_74] : memref<8x128xf32, #tpu.memory_space<vmem>>, vector<1x128xf32>
      %mul3A_76 = arith.constant 9.99999974E-5 : f32
      %mul3A_77 = vector.broadcast %mul3A_76 : f32 to vector<1x128xf32>
      %mul3A_78 = arith.mulf %get3A_75, %mul3A_77 : vector<1x128xf32>
      %get3A_79 = arith.constant 1 : index
      %get3A_80 = arith.constant 0 : index
      %get3A_81 = vector.load %arg12[%get3A_79, %get3A_80] : memref<8x128xf32, #tpu.memory_space<vmem>>, vector<1x128xf32>
      %mul3A_82 = arith.constant 9.99999974E-5 : f32
      %mul3A_83 = vector.broadcast %mul3A_82 : f32 to vector<1x128xf32>
      %mul3A_84 = arith.mulf %get3A_81, %mul3A_83 : vector<1x128xf32>
      %mul3A_85 = arith.mulf %mul3A_78, %mul3A_78 : vector<1x128xf32>
      %sub3A = arith.subf %mul3A_84, %mul3A_85 : vector<1x128xf32>
      %add3A_86 = arith.constant 9.99999974E-6 : f32
      %add3A_87 = vector.broadcast %add3A_86 : f32 to vector<1x128xf32>
      %add3A_88 = arith.addf %sub3A, %add3A_87 : vector<1x128xf32>
      %rsqrt3A = math.rsqrt %add3A_88 : vector<1x128xf32>
      %get3A_89 = arith.constant 0 : index
      %get3A_90 = arith.constant 0 : index
      %get3A_91 = vector.load %arg8[%get3A_89, %get3A_90] : memref<1x128xf32, #tpu.memory_space<vmem>>, vector<1x128xf32>
      %mul3A_92 = arith.mulf %get3A_91, %rsqrt3A : vector<1x128xf32>
      %swap3A_93 = arith.constant 0 : index
      %swap3A_94 = arith.constant 0 : index
      %swap3A_95 = vector.load %arg11[%swap3A_93, %swap3A_94] : memref<8x128xf32, #tpu.memory_space<vmem>>, vector<1x128xf32>
      tpu.vector_store %arg11[%swap3A_93, %swap3A_94], %mul3A_92 {strides = array<i32>} : memref<8x128xf32, #tpu.memory_space<vmem>>, vector<1x128xf32>,
      %get3A_96 = arith.constant 0 : index
      %get3A_97 = arith.constant 0 : index
      %get3A_98 = vector.load %arg9[%get3A_96, %get3A_97] : memref<1x128xf32, #tpu.memory_space<vmem>>, vector<1x128xf32>
      %mul3A_99 = arith.mulf %mul3A_78, %mul3A_92 : vector<1x128xf32>
      %sub3A_100 = arith.subf %get3A_98, %mul3A_99 : vector<1x128xf32>
      %swap3A_101 = arith.constant 1 : index
      %swap3A_102 = arith.constant 0 : index
      %swap3A_103 = vector.load %arg11[%swap3A_101, %swap3A_102] : memref<8x128xf32, #tpu.memory_space<vmem>>, vector<1x128xf32>
      tpu.vector_store %arg11[%swap3A_101, %swap3A_102], %sub3A_100 {strides = array<i32>} : memref<8x128xf32, #tpu.memory_space<vmem>>, vector<1x128xf32>,
    } else {
    }
    return
  }
  func.func @transform_0(%arg0: i32) -> (i32, i32) {
    %c0_i32 = arith.constant 0 : i32
    %c0_i32_0 = arith.constant 0 : i32
    %c0_i32_1 = arith.constant 0 : i32
    return %c0_i32, %c0_i32_0 : i32, i32
  }
  func.func @transform_1(%arg0: i32) -> (i32, i32) {
    %c0_i32 = arith.constant 0 : i32
    %c0_i32_0 = arith.constant 0 : i32
    return %arg0, %c0_i32 : i32, i32
  }
  func.func @transform_2(%arg0: i32) -> (i32, i32, i32) {
    %c0_i32 = arith.constant 0 : i32
    %c0_i32_0 = arith.constant 0 : i32
    %c0_i32_1 = arith.constant 0 : i32
    return %c0_i32, %arg0, %c0_i32_0 : i32, i32, i32
  }
  func.func @transform_3(%arg0: i32) -> (i32, i32, i32) {
    %c0_i32 = arith.constant 0 : i32
    %c0_i32_0 = arith.constant 0 : i32
    %c0_i32_1 = arith.constant 0 : i32
    return %c0_i32, %arg0, %c0_i32_0 : i32, i32, i32
  }
  func.func @transform_4(%arg0: i32) -> (i32, i32) {
    %c0_i32 = arith.constant 0 : i32
    %c0_i32_0 = arith.constant 0 : i32
    %c0_i32_1 = arith.constant 0 : i32
    return %c0_i32, %c0_i32_0 : i32, i32
  }
  func.func @transform_5(%arg0: i32) -> (i32, i32) {
    %c0_i32 = arith.constant 0 : i32
    %c0_i32_0 = arith.constant 0 : i32
    %c0_i32_1 = arith.constant 0 : i32
    return %c0_i32, %c0_i32_0 : i32, i32
  }
  func.func @transform_6(%arg0: i32) -> (i32, i32) {
    %c0_i32 = arith.constant 0 : i32
    %c0_i32_0 = arith.constant 0 : i32
    %c0_i32_1 = arith.constant 0 : i32
    return %c0_i32, %c0_i32_0 : i32, i32
  }
  func.func @transform_7(%arg0: i32) -> (i32, i32) {
    %c0_i32 = arith.constant 0 : i32
    %c0_i32_0 = arith.constant 0 : i32
    %c0_i32_1 = arith.constant 0 : i32
    return %c0_i32, %c0_i32_0 : i32, i32
  }
  func.func @transform_8(%arg0: i32) -> (i32, i32) {
    %c0_i32 = arith.constant 0 : i32
    %c0_i32_0 = arith.constant 0 : i32
    %c0_i32_1 = arith.constant 0 : i32
    return %c0_i32, %c0_i32_0 : i32, i32
  }
  func.func @transform_9(%arg0: i32) -> (i32, i32) {
    %c0_i32 = arith.constant 0 : i32
    %c0_i32_0 = arith.constant 0 : i32
    return %arg0, %c0_i32 : i32, i32
  }
  func.func @transform_10(%arg0: i32) -> (i32, i32) {
    %c0_i32 = arith.constant 0 : i32
    %c0_i32_0 = arith.constant 0 : i32
    %c0_i32_1 = arith.constant 0 : i32
    return %c0_i32, %c0_i32_0 : i32, i32
  }
}

module attributes {stable_mosaic.version = 14 : i64} {
  func.func @_tc_norm_body(%arg0: i32, %arg1: memref<2000x128xf32, #tpu.memory_space<vmem>>, %arg2: memref<8x128xf32, #tpu.memory_space<vmem>>, %arg3: memref<2000x128xf32, #tpu.memory_space<vmem>>) attributes {dimension_semantics = [#tpu.dimension_semantics<arbitrary>], iteration_bounds = array<i64: 5>, scalar_prefetch = 0 : i64, scratch_operands = 0 : i64, tpu.core_type = #tpu.core_type<tc>, window_params = [{transform_indices = @transform_0, window_bounds = array<i64: 2000, 128>}, {pipeline_mode = #tpu.pipeline_mode<synchronous>, transform_indices = @transform_1, window_bounds = array<i64: 8, 128>}, {transform_indices = @transform_2, window_bounds = array<i64: 2000, 128>}]} {
    %get3A = arith.constant 0 : index
    %get3A_0 = arith.constant 0 : index
    %get3A_1 = vector.load %arg1[%get3A, %get3A_0] : memref<2000x128xf32, #tpu.memory_space<vmem>>, vector<2000x128xf32>
    %get3A_2 = arith.constant 0 : index
    %get3A_3 = arith.constant 0 : index
    %get3A_4 = vector.load %arg2[%get3A_2, %get3A_3] : memref<8x128xf32, #tpu.memory_space<vmem>>, vector<1x128xf32>
    %mul3A = vector.broadcast %get3A_4 : vector<1x128xf32> to vector<2000x128xf32>
    %mul3A_5 = arith.mulf %get3A_1, %mul3A : vector<2000x128xf32>
    %get3A_6 = arith.constant 1 : index
    %get3A_7 = arith.constant 0 : index
    %get3A_8 = vector.load %arg2[%get3A_6, %get3A_7] : memref<8x128xf32, #tpu.memory_space<vmem>>, vector<1x128xf32>
    %add3A = vector.broadcast %get3A_8 : vector<1x128xf32> to vector<2000x128xf32>
    %add3A_9 = arith.addf %mul3A_5, %add3A : vector<2000x128xf32>
    %max3A = arith.constant 0.000000e+00 : f32
    %max3A_10 = vector.broadcast %max3A : f32 to vector<2000x128xf32>
    %max3A_11 = arith.maximumf %add3A_9, %max3A_10 : vector<2000x128xf32>
    %swap3A = arith.constant 0 : index
    %swap3A_12 = arith.constant 0 : index
    %swap3A_13 = vector.load %arg3[%swap3A, %swap3A_12] : memref<2000x128xf32, #tpu.memory_space<vmem>>, vector<2000x128xf32>
    tpu.vector_store %arg3[%swap3A, %swap3A_12], %max3A_11 {strides = array<i32>} : memref<2000x128xf32, #tpu.memory_space<vmem>>, vector<2000x128xf32>,
    return
  }
  func.func @transform_0(%arg0: i32) -> (i32, i32) {
    %c0_i32 = arith.constant 0 : i32
    %c0_i32_0 = arith.constant 0 : i32
    return %arg0, %c0_i32 : i32, i32
  }
  func.func @transform_1(%arg0: i32) -> (i32, i32) {
    %c0_i32 = arith.constant 0 : i32
    %c0_i32_0 = arith.constant 0 : i32
    %c0_i32_1 = arith.constant 0 : i32
    return %c0_i32, %c0_i32_0 : i32, i32
  }
  func.func @transform_2(%arg0: i32) -> (i32, i32) {
    %c0_i32 = arith.constant 0 : i32
    %c0_i32_0 = arith.constant 0 : i32
    return %arg0, %c0_i32 : i32, i32
  }
}

</mosaic_0001>

<sc_bundles>
// kernel: kernel.5.cloned.1.call-start
scs
__scs_entry_jumppad:
0x0: {  	(pc) =	sbr.rel $0x88, $3  }
0x1: {  	(tag) =	ssettag $0x0;
	lr =	simm.s32 $0x1  }
0x2: {  	[smem:$0x3F9A] =	sst lr;
	_ =	strace $0xD0000000  }
0x3: {  	_ = 	snop  }
0x4: {  	_ = 	snop  }
0x5: {  	_ = 	snop  }
0x6: {  	_ = 	snop  }
0x7: {  	_ = 	snop  }
__scs_overlays_trampoline_lowered:
0x8: {  	[smem:$0x3FA9] =	sst s0  }
0x9: {  	[smem:$0x3FAA] =	sst s1  }
0xa: {  	[smem:$0x3FAB] =	sst s2  }
0xb: {  	[smem:$0x3FAC] =	sst s3  }
0xc: {  	[smem:$0x3FAD] =	sst s4  }
0xd: {  	[smem:$0x3FAE] =	sst s5  }
0xe: {  	[smem:$0x3FAF] =	sst s6  }
0xf: {  	[smem:$0x3FB0] =	sst s7  }
0x10: {  	[smem:$0x3FB1] =	sst s8  }
0x11: {  	[smem:$0x3FB2] =	sst s9;
	s0 =	simm.s32 @!p0 $0x0  }
0x12: {  	s1 =	sld [smem:$0x3F98];
	s0 =	simm.s32 @p0 $0x1  }
0x13: {  	[smem:$0x3FB3] =	sst s0;
	s0 =	simm.s32 @!p1 $0x0  }
0x14: {  	s2 =	sld [smem:$0x3F97];
	s0 =	simm.s32 @p1 $0x1  }
0x15: {  	[smem:$0x3FB4] =	sst s0;
	s0 =	simm.s32 @!p2 $0x0  }
0x16: {  	s3 =	sld [smem:$0x3FDB];
	s0 =	simm.s32 @p2 $0x1  }
0x17: {  	s4 =	simm.s32 $0x1BF5;
	[smem:$0x3FB6] =	sst s0  }
0x18: {  	s0 =	sld [smem:$0x3F99];
	_ =	swait.ge [sflag:s4], $0x0  }
0x19: {  	s7 =	sld [smem:$0x3F9A]  }
0x1a: {  	s8 =	sadd.s32 $0xFFFFE003, lr  }
0x1b: {  	s9 =	sadd.s32 $0xFFFFFEF7, lr;
	s5 =	simm.s32 $0xFFFFFFFF;
	p2 =	slt.u32 s8, $0xFFFFF086  }
0x1c: {  	p1 =	slt.u32 s9, $0xF7A;
	s5 =	simm.s32 @!p2 $0x0  }
0x1d: {  	s5 =	simm.s32 @p1 $0x1;
	p0 =	seq.s32 s7, s2  }
0x1e: {  	s7 =	smul.u32 @!p0 $0xF7A, s2;
	p2 =	seq.s32 @!p0 s5, $0x0  }
0x1f: {  	s9 =	smul.u32 $0xF7A, s1;
	s8 =	simm.s32 @!p0 $0x1BF5;
	p2 =	por !p2, p0  }
0x20: {  	[sflag:s8] =	ssyncset.s32 @!p0 $0xFFFFF086;
	s6 =	sadd.s32 @!p0 s3, s7;
	s7 =	simm.s32 @!p0 $0x108  }
0x21: {  	s3 =	sadd.s32 s3, s9;
	s6 =	sadd.s32 @!p0 $0x88, s6;
	s7 =	simm.s32 @p2 $0x1082  }
0x22: {  	[simem:s7], [sflag:s8] =	dma.local @!p0 [hbm:s6], $0xF7A  }
0x23: {  	s9 =	sor.u32 $0xD0000000, s2;
	s6 =	simm.s32 $0x108;
	_ =	swait.ge @!p0 [sflag:s8], $0x0  }
0x24: {  	s3 =	sadd.s32 $0x88, s3;
	s6 =	simm.s32 @!p1 $0x1082;
	[sflag:s4] =	ssyncset.s32 $0xFFFFF086  }
0x25: {  	[simem:s6], [sflag:s4] =	dma.local [hbm:s3], $0xF7A  }
0x26: {  	[smem:$0x3F9A] =	sst s1;
	(tag) =	ssettag s2;
	_ =	strace s9  }
0x27: {  	s1 =	sld [smem:$0x3FAA]  }
0x28: {  	s2 =	sld [smem:$0x3FAB]  }
0x29: {  	s4 =	sld [smem:$0x3FAD]  }
0x2a: {  	p0 =	seq.s32 s5, $0x0;
	s5 =	sld [smem:$0x3FAE]  }
0x2b: {  	s6 =	sld [smem:$0x3FAF]  }
0x2c: {  	s7 =	sld [smem:$0x3FB0]  }
0x2d: {  	s3 =	simm.s32 $0x108;
	s8 =	sld [smem:$0x3FB1]  }
0x2e: {  	s3 =	simm.s32 @!p0 $0x1082;
	s9 =	sld [smem:$0x3FB2]  }
0x2f: {  	lr =	sadd.s32 s0, s3;
	s0 =	sld [smem:$0x3FA9]  }
0x30: {  	s3 =	sld [smem:$0x3FAC]  }
0x31: {  	[smem:$0x3FB5] =	sst s10  }
0x32: {  	s10 =	sld [smem:$0x3FB3];
	_ =	sdelay $0x3  }
0x33: {  	p0 =	seq.s32 s10, $0x1;
	s10 =	sld [smem:$0x3FB5];
	_ =	sdelay $0x3  }
0x34: {  	[smem:$0x3FB5] =	sst s10  }
0x35: {  	s10 =	sld [smem:$0x3FB4];
	_ =	sdelay $0x3  }
0x36: {  	p1 =	seq.s32 s10, $0x1;
	s10 =	sld [smem:$0x3FB5];
	_ =	sdelay $0x3  }
0x37: {  	[smem:$0x3FB5] =	sst s10  }
0x38: {  	s10 =	sld [smem:$0x3FB6]  }
0x39: {  	_ = 	snop;
	(pc) =	sbr.ind lr, $3  }
0x3a: {  	_ = 	snop  }
0x3b: {  	_ = 	snop  }
0x3c: {  	p2 =	seq.s32 s10, $0x1;
	s10 =	sld [smem:$0x3FB5]  }
0x3d: {  	_ =	shalt  }
0x3e: {  	_ =	shalt  }
0x3f: {  	_ =	shalt  }
0x40: {  	_ =	shalt  }
0x41: {  	_ =	shalt  }
0x42: {  	_ =	shalt  }
0x43: {  	_ =	shalt  }
0x44: {  	_ =	shalt  }
0x45: {  	_ =	shalt  }
0x46: {  	_ =	shalt  }
0x47: {  	_ =	shalt  }
0x48: {  	_ =	shalt  }
0x49: {  	_ =	shalt  }
0x4a: {  	_ =	shalt  }
0x4b: {  	_ =	shalt  }
0x4c: {  	_ =	shalt  }
0x4d: {  	_ =	shalt  }
0x4e: {  	_ =	shalt  }
0x4f: {  	_ =	shalt  }
0x50: {  	_ =	shalt  }
0x51: {  	_ =	shalt  }
0x52: {  	_ =	shalt  }
0x53: {  	_ =	shalt  }
0x54: {  	_ =	shalt  }
0x55: {  	_ =	shalt  }
0x56: {  	_ =	shalt  }
0x57: {  	_ =	shalt  }
0x58: {  	_ =	shalt  }
0x59: {  	_ =	shalt  }
0x5a: {  	_ =	shalt  }
0x5b: {  	_ =	shalt  }
0x5c: {  	_ =	shalt  }
0x5d: {  	_ =	shalt  }
0x5e: {  	_ =	shalt  }
0x5f: {  	_ =	shalt  }
0x60: {  	_ =	shalt  }
0x61: {  	_ =	shalt  }
0x62: {  	_ =	shalt  }
0x63: {  	_ =	shalt  }
0x64: {  	_ =	shalt  }
0x65: {  	_ =	shalt  }
0x66: {  	_ =	shalt  }
0x67: {  	_ =	shalt  }
0x68: {  	_ =	shalt  }
0x69: {  	_ =	shalt  }
0x6a: {  	_ =	shalt  }
0x6b: {  	_ =	shalt  }
0x6c: {  	_ =	shalt  }
0x6d: {  	_ =	shalt  }
0x6e: {  	_ =	shalt  }
0x6f: {  	_ =	shalt  }
0x70: {  	_ =	shalt  }
0x71: {  	_ =	shalt  }
0x72: {  	_ =	shalt  }
0x73: {  	_ =	shalt  }
0x74: {  	_ =	shalt  }
0x75: {  	_ =	shalt  }
0x76: {  	_ =	shalt  }
0x77: {  	_ =	shalt  }
0x78: {  	_ =	shalt  }
0x79: {  	_ =	shalt  }
0x7a: {  	_ =	shalt  }
0x7b: {  	_ =	shalt  }
0x7c: {  	_ =	shalt  }
0x7d: {  	_ =	shalt  }
0x7e: {  	_ =	shalt  }
0x7f: {  	_ =	shalt  }
0x80: {  	_ =	shalt  }
0x81: {  	_ =	shalt  }
0x82: {  	_ =	shalt  }
0x83: {  	_ =	shalt  }
0x84: {  	_ =	shalt  }
0x85: {  	_ =	shalt  }
0x86: {  	_ =	shalt  }
0x87: {  	_ =	shalt  }
.Lfunc_end0:
.L_simem_size_0:
called_computation_lowered:
.L_overlay_start_0:
0x88: {  	s2 =	sld [smem:$0x3FD9]  }
0x89: {  	s3 =	sld [smem:$0x3FFE];
	_ =	sdelay $0x1  }
0x8a: {  	s1 =	srdreg.scid  }
0x8b: {  	s0 =	sand.u32 $0x1, s1  }
0x8c: {  	s17 =	sshll.u32 s0, $0xA;
	s2 =	sadd.s32 s3, s2  }
0x8d: {  	s2 =	sadd.s32 s2, s17  }
0x8e: {  	[smem:$0x3FC1] =	sst s2  }
0x8f: {  	_ = 	snop  }
0x90: {  	s2 =	sld [smem:$0x3FC9]  }
0x91: {  	s18 =	sld [smem:$0x3FD0];
	(tm) =	ssettm $0x1  }
0x92: {  	s4 =	sld [smem:$0x3FFB];
	_ =	sdelay $0x3  }
0x93: {  	_ =	strace s4  }
0x94: {  	s4 =	sld [smem:$0x3FFC];
	_ =	sdelay $0x3  }
0x95: {  	_ =	strace s4  }
0x96: {  	s4 =	sld [smem:$0x3FFD];
	_ =	sdelay $0x3  }
0x97: {  	_ =	strace s4  }
0x98: {  	_ =	strace $0x8FFFFFFF  }
0x99: {  	s19 =	sld [smem:$0x3FDB];
	_ =	sdelay $0x1  }
0x9a: {  	s5 =	simm.s32 $_scs_section_size  }
0x9b: {  	s6 =	simm.s32 $_size__tile_overlayer_lowered;
	s7 =	simm.s32 $_tile_overlayer_lowered  }
0x9c: {  	s22 =	simm.s32 $0x1BFF;
	s21 =	sshll.u32 s7, $0x1;
	s4 =	sadd.s32 s5, s19  }
0x9d: {  	s8 =	simm.s32 $0x0;
	s20 =	sshll.u32 s6, $0x1;
	s6 =	sadd.s32 s21, s4  }
0x9e: {  	[timem:s8], [sflag:s22] =	dma.local [hbm:s6], s20  }
0x9f: {  	_ =	swait.ge [sflag:s22], s20  }
0xa0: {  	s5 =	ssub.s32 $0x0, s20;
	[sflag:s22] =	ssyncset.done $0x0  }
0xa1: {  	[sflag:s22] =	ssyncadd.s32 s5;
	_ =	sdelay $0x1  }
0xa2: {  	s23 =	simm.s32 $0x1B8B  }
0xa3: {  	_ =	swait.ge [sflag:s23], $0x1  }
0xa4: {  	[sflag:s23] =	ssyncset.done $0x0  }
0xa5: {  	s25 =	simm.s32 $0x1B8E;
	s24 =	sld [smem:$0x3FFE];
	[sflag:s23] =	ssyncadd.s32 $0xFFFFFFFF  }
0xa6: {  	s26 =	simm.s32 $execute0_lowered;
	[smem:$0x3FD2] =	sst s25  }
0xa7: {  	s6 =	sshll.u32 s26, $0x1;
	_ =	strace $0x80000046;
	[dreg:$0x1] =	wrdreg $0xFFFFFFFF  }
0xa8: {  	s28 =	simm.s32 $_size_execute0_lowered;
	s4 =	sadd.s32 s4, s6;
	[dreg:$0x0] =	wrdreg $0x0  }
0xa9: {  	s6 =	sshll.u32 s28, $0x1;
	[dreg:$0x2] =	wrdreg s4  }
0xaa: {  	[dreg:$0x3] =	wrdreg s6  }
0xab: {  	[dreg:$0x4] =	wrdreg $0xC0  }
0xac: {  	_ =	task [dreg:s8], $0x5FFFF  }
0xad: {  	[dreg:$0x1] =	wrdreg $0xFFFFFFFF  }
0xae: {  	[dreg:$0x0] =	wrdreg $0x60  }
0xaf: {  	[dreg:$0x2] =	wrdreg s2  }
0xb0: {  	[dreg:$0x3] =	wrdreg s24  }
0xb1: {  	[dreg:$0x4] =	wrdreg s18  }
0xb2: {  	[dreg:$0x5] =	wrdreg $0x8B600  }
0xb3: {  	[dreg:$0x6] =	wrdreg $0x1C7600  }
0xb4: {  	[dreg:$0x7] =	wrdreg $0x9  }
0xb5: {  	_ =	task.clear_ibuf [dreg:s8], $0x8FFFF;
	_ =	strace $0x90000046  }
0xb6: {  	s29 =	simm.s32 $0x9;
	_ =	strace $0x80000048  }
0xb7: {  	_ =	swait.ge [sflag:s29], $0x1  }
0xb8: {  	[sflag:s29] =	ssyncadd.s32 $0xFFFFFFFF  }
0xb9: {  	_ =	strace $0x90000048  }
0xba: {  	_ =	sfence  }
0xbb: {  	s30 =	sld [smem:$0x0];
	_ =	sdelay $0x2  }
0xbc: {  	s31 =	sshll.u32 s1, $0xD;
	s1 =	sshrl.u32 s1, $0x2  }
0xbd: {  	s3 =	sand.u32 $0x4000, s31;
	s1 =	sadd.s32 s1, s30  }
0xbe: {  	s0 =	sor.u32 s3, s0;
	s1 =	sshll.u32 s1, $0x11  }
0xbf: {  	s0 =	sor.u32 s1, s0  }
0xc0: {  	s0 =	sadd.s32 $0x8F2B, s0  }
0xc1: {  	[sflag:s0] =	ssyncadd.remote.s32 $0x1  }
0xc2: {  	_ =	sfence.sel $0xFFFF  }
0xc3: {  	[dreg:$0x0] =	wrdreg $0xFFFFFFFF;
	(pc) =	sbr.abs _section_cstart, $3  }
0xc4: {  	[dreg:$0x1] =	wrdreg $0xFFFFFFFF  }
0xc5: {  	_ =	task.clear_ibuf [dreg:s8], $0x2FFFF;
	_ =	strace $0x9FFFFFFF  }
0xc6: {  	(tm) =	ssettm $0x7FFFFFFF  }
0xc7: {  	_ =	shalt  }
tec
execute0_lowered:
.L_overlay_start_1:
0x0: {  	(tag) =	ssettag $0x1  }
0x1: {  	s1 =	rddreg [dreg:$0x0]  }
0x2: {  	s0 =	rddreg [dreg:$0x1];
	s2 =	srdreg.scid  }
0x3: {  	s20 =	stileid.u32;
	s6 =	rddreg [dreg:$0x2]  }
0x4: {  	s3 =	rddreg [dreg:$0x3];
	s16 =	simm.s32 $0x6;
	s17 =	simm.s32 $0x28  }
0x5: {  	s18 =	simm.s32 $0x4E20;
	s19 =	simm.s32 $0x6220;
	s21 =	simm.s32 $0x7620  }
0x6: {  	s28 =	simm.s32 $0x1;
	s29 =	simm.s32 $0x2;
	s30 =	simm.s32 $0x3  }
0x7: {  	s31 =	simm.s32 $0x4D80;
	s22 =	simm.s32 $0x4DF8;
	s8 =	smul.u32 $0x13C00, s20  }
0x8: {  	s2 =	sand.u32 $0x1, s2;
	s4 =	sshll.u32 s20, $0x1;
	s10 =	smul.u32 $0x13C0, s20  }
0x9: {  	s12 =	sadd.s32 $0xBA00, s0;
	s13 =	sadd.s32 $0xB600, s0;
	s9 =	smul.u32 $0x13C000, s2  }
0xa: {  	s5 =	sor.u32 s2, s4;
	s4 =	rddreg [dreg:$0x4];
	s23 =	smul.u32 $0x13C00, s2  }
0xb: {  	s2 =	ssub.s32 $0x2, s2;
	s7 =	smul.u32 $0x4E2, s5;
	s5 =	simm.s32 $0x0  }
0xc: {  	s24 =	sadd.s32 $0xB400, s0;
	s25 =	sshrl.u32 s2, $0x1;
	[smem:$0x7FF] =	sst s5  }
0xd: {  	s26 =	sadd.s32 s8, s3;
	_ =	strace $0x80000047;
	[dreg:$0x6] =	wrdreg s12  }
0xe: {  	s9 =	sadd.s32 s8, s9;
	s2 =	ssub.s32 s2, s25;
	[dreg:$0x7] =	wrdreg s13  }
0xf: {  	s11 =	sadd.s32 s7, s0;
	[dreg:$0x8] =	wrdreg s24;
	s9 =	sshrl.u32 s9, $0x3  }
0x10: {  	s12 =	sadd.s32 s10, s23;
	s6 =	sadd.s32 s6, s7;
	[dreg:$0xb] =	wrdreg s26  }
0x11: {  	s15 =	smax.u32 s2, $0x1;
	s23 =	simm.s32 $0x8A20;
	s24 =	sshll.u32 s20, $0x6  }
0x12: {  	s26 =	simm.s32 $0x5;
	s20 =	simm.s32 $0x4DD0;
	s2 =	simm.s32 $0x4  }
0x13: {  	s9 =	sadd.s32 s9, s0;
	s12 =	sshrl.u32 s12, $0x3;
	s11 =	sadd.s32 $0x1600, s11  }
0x14: {  	[dreg:$0xa] =	wrdreg s6;
	s25 =	sor.u32 $0x1C05, s24;
	s6 =	simm.s32 $0x0  }
0x15: {  	s0 =	sadd.s32 s12, s0;
	[dreg:$0x9] =	wrdreg s11;
	s12 =	sadd.s32 s10, s4  }
0x16: {  	s13 =	sadd.s32 $0x13200, s9;
	s14 =	sadd.s32 $0xE200, s0;
	s0 =	simm.s32 $0x4DA8  }
.LBB2_1:
0x17: {  	s7 =	rddreg [dreg:$0x9]  }
0x18: {  	[tilespmem:s5], [sflag:$0x6] =	stream.linear.gather [hbm4b:s7+s5], $0x2710, $0x38;
	[tilespmem:$0x1DB20] =	vst v63  }
0x19: {  	_ =	swait.ge [sflag:s16], $0x2710  }
0x1a: {  	[sflag:s16] =	ssyncset.done $0x0  }
0x1b: {  	[sflag:s16] =	ssyncadd.s32 $0xFFFFD8F0  }
0x1c: {  	[tilespmem:s18], [sflag:$0x1] =	stream.indirect.gather [hbm4b:s1+s17], $0x80, s5, s17, $0xb8;
	[tilespmem:$0x1DB20] =	vst v63  }
0x1d: {  	_ = 	snop  }
0x1e: {  	[tilespmem:s19], [sflag:$0x2] =	stream.indirect.gather [hbm4b:s1+s17], $0x80, s17, s17, $0xb8;
	[tilespmem:$0x1DB20] =	vst v63  }
0x1f: {  	s10 =	simm.s32 $0x50;
	s11 =	rddreg [dreg:$0xa]  }
0x20: {  	[tilespmem:s21], [sflag:$0x3] =	stream.indirect.gather [hbm4b:s1+s17], $0x80, s10, s17, $0xb8;
	[tilespmem:$0x1DB20] =	vst v63  }
0x21: {  	s8 =	simm.s32 $0x2710;
	s9 =	rddreg [dreg:$0xb]  }
0x22: {  	[tilespmem:s8], [sflag:$0x5] =	stream.linear.gather [hbm4b:s11+s5], $0x2710, $0x38;
	[tilespmem:$0x1DB20] =	vst v63  }
0x23: {  	s8 =	rddreg [dreg:$0x8]  }
0x24: {  	[tilespmem:s23], [sflag:$0x5] =	stream.linear.gather [hbm4b:s8+s5], $0x140, $0x38;
	[tilespmem:$0x1DB20] =	vst v63  }
0x25: {  	s10 =	rddreg [dreg:$0x6];
	s8 =	sshrl.u32 s9, $0x3  }
0x26: {  	[spmem:s8], [sflag:s25] =	dma.local [hbm:s10], $0x2780  }
0x27: {  	s7 =	sshrl.u32 s12, $0x3;
	s9 =	rddreg [dreg:$0x7]  }
0x28: {  	[spmem:s7], [sflag:s25] =	dma.local [hbm:s9], $0x278  }
0x29: {  	_ =	swait.ge [sflag:s26], $0x2710  }
0x2a: {  	[sflag:s26] =	ssyncset.done $0x0  }
0x2b: {  	[sflag:s26] =	ssyncadd.s32 $0xFFFFD8F0  }
0x2c: {  	_ =	swait.ge [sflag:s26], $0x140  }
0x2d: {  	[sflag:s26] =	ssyncset.done $0x0  }
0x2e: {  	[sflag:s26] =	ssyncadd.s32 $0xFFFFFEC0  }
0x2f: {  	_ =	swait.ge [sflag:s26], $0x2780  }
0x30: {  	[sflag:s26] =	ssyncset.done $0x0  }
0x31: {  	[sflag:s26] =	ssyncadd.s32 $0xFFFFD880  }
0x32: {  	_ =	swait.ge [sflag:s26], $0x278  }
0x33: {  	[sflag:s26] =	ssyncset.done $0x0  }
0x34: {  	[sflag:s26] =	ssyncadd.s32 $0xFFFFFD88  }
0x35: {  	[bflag:$0x0] =	sbarrier.arrive $0xFFFF  }
0x36: {  	_ =	swait.ge [sflag:s28], $0x1400  }
0x37: {  	[sflag:s28] =	ssyncset.done $0x0  }
0x38: {  	s11 =	simm.s32 $0x2710;
	[sflag:s28] =	ssyncadd.s32 $0xFFFFEC00  }
0x39: {  	[spmem:s3] =	stream.indirect.scatter.add.f32 [tilespmem:s18], [sflag:$0x6], $0x80, s11, s17, $0xb8;
	[tilespmem:$0x1DB20] =	vst v63  }
0x3a: {  	_ =	swait.ge [sflag:s16], $0x1400  }
0x3b: {  	[sflag:s16] =	ssyncset.done $0x0  }
0x3c: {  	[sflag:s16] =	ssyncadd.s32 $0xFFFFEC00  }
0x3d: {  	[spmem:s4] =	stream.indirect.scatter.add.f32 [tilespmem:s23], [sflag:$0x4], $0x8, s11, s17, $0xb8;
	[tilespmem:$0x1DB20] =	vst v63  }
0x3e: {  	s10 =	simm.s32 $0x78  }
0x3f: {  	[tilespmem:s18], [sflag:$0x1] =	stream.indirect.gather [hbm4b:s1+s17], $0x80, s10, s17, $0xb8;
	[tilespmem:$0x1DB20] =	vst v63  }
0x40: {  	_ =	swait.ge [sflag:s29], $0x1400  }
0x41: {  	[sflag:s29] =	ssyncset.done $0x0  }
0x42: {  	s11 =	simm.s32 $0x2738;
	[sflag:s29] =	ssyncadd.s32 $0xFFFFEC00  }
0x43: {  	[spmem:s3] =	stream.indirect.scatter.add.f32 [tilespmem:s19], [sflag:$0x6], $0x80, s11, s17, $0xb8;
	[tilespmem:$0x1DB20] =	vst v63  }
0x44: {  	_ =	swait.ge [sflag:s16], $0x1400  }
0x45: {  	[sflag:s16] =	ssyncset.done $0x0  }
0x46: {  	[sflag:s16] =	ssyncadd.s32 $0xFFFFEC00  }
0x47: {  	[spmem:s4] =	stream.indirect.scatter.add.f32 [tilespmem:s23], [sflag:$0x4], $0x8, s11, s17, $0xb8;
	[tilespmem:$0x1DB20] =	vst v63  }
0x48: {  	s10 =	simm.s32 $0xA0  }
0x49: {  	[tilespmem:s19], [sflag:$0x2] =	stream.indirect.gather [hbm4b:s1+s17], $0x80, s10, s17, $0xb8;
	[tilespmem:$0x1DB20] =	vst v63  }
0x4a: {  	_ =	swait.ge [sflag:s30], $0x1400  }
0x4b: {  	[sflag:s30] =	ssyncset.done $0x0  }
0x4c: {  	s11 =	simm.s32 $0x2760;
	[sflag:s30] =	ssyncadd.s32 $0xFFFFEC00  }
0x4d: {  	[spmem:s3] =	stream.indirect.scatter.add.f32 [tilespmem:s21], [sflag:$0x6], $0x80, s11, s17, $0xb8;
	[tilespmem:$0x1DB20] =	vst v63  }
0x4e: {  	_ =	swait.ge [sflag:s16], $0x1400  }
0x4f: {  	[sflag:s16] =	ssyncset.done $0x0  }
0x50: {  	s9 =	simm.s32 $0x1E0;
	s10 =	simm.s32 $0xC8;
	[sflag:s16] =	ssyncadd.s32 $0xFFFFEC00  }
0x51: {  	[spmem:s4] =	stream.indirect.scatter.add.f32 [tilespmem:s23], [sflag:$0x4], $0x8, s11, s17, $0xb8;
	[tilespmem:$0x1DB20] =	vst v63  }
.LBB2_2:
0x52: {  	[tilespmem:s21], [sflag:$0x3] =	stream.indirect.gather [hbm4b:s1+s17], $0x80, s10, s17, $0xb8;
	[tilespmem:$0x1DB20] =	vst v63  }
0x53: {  	s10 =	smov.u32 s9  }
0x54: {  	p0 =	sne.s32 s9, $0x97E0;
	s9 =	sadd.s32 $0x1E0, s9;
	_ =	swait.ge [sflag:s28], $0x1400  }
0x55: {  	s10 =	sshra.s32 s10, $0x2;
	[sflag:s28] =	ssyncset.done $0x0  }
0x56: {  	s11 =	sadd.s32 $0x2710, s10;
	[sflag:s28] =	ssyncadd.s32 $0xFFFFEC00  }
0x57: {  	[spmem:s3] =	stream.indirect.scatter.add.f32 [tilespmem:s18], [sflag:$0x6], $0x80, s11, s17, $0xb8;
	[tilespmem:$0x1DB20] =	vst v63  }
0x58: {  	_ =	swait.ge [sflag:s16], $0x1400  }
0x59: {  	[sflag:s16] =	ssyncset.done $0x0  }
0x5a: {  	[sflag:s16] =	ssyncadd.s32 $0xFFFFEC00  }
0x5b: {  	[spmem:s4] =	stream.indirect.scatter.add.f32 [tilespmem:s23], [sflag:$0x4], $0x8, s11, s17, $0xb8;
	[tilespmem:$0x1DB20] =	vst v63  }
0x5c: {  	s11 =	sadd.s32 $0x78, s10  }
0x5d: {  	[tilespmem:s18], [sflag:$0x1] =	stream.indirect.gather [hbm4b:s1+s17], $0x80, s11, s17, $0xb8;
	[tilespmem:$0x1DB20] =	vst v63  }
0x5e: {  	_ =	swait.ge [sflag:s29], $0x1400  }
0x5f: {  	[sflag:s29] =	ssyncset.done $0x0  }
0x60: {  	s11 =	sadd.s32 $0x2738, s10;
	[sflag:s29] =	ssyncadd.s32 $0xFFFFEC00  }
0x61: {  	[spmem:s3] =	stream.indirect.scatter.add.f32 [tilespmem:s19], [sflag:$0x6], $0x80, s11, s17, $0xb8;
	[tilespmem:$0x1DB20] =	vst v63  }
0x62: {  	_ =	swait.ge [sflag:s16], $0x1400  }
0x63: {  	[sflag:s16] =	ssyncset.done $0x0  }
0x64: {  	[sflag:s16] =	ssyncadd.s32 $0xFFFFEC00  }
0x65: {  	[spmem:s4] =	stream.indirect.scatter.add.f32 [tilespmem:s23], [sflag:$0x4], $0x8, s11, s17, $0xb8;
	[tilespmem:$0x1DB20] =	vst v63  }
0x66: {  	s11 =	sadd.s32 $0xA0, s10  }
0x67: {  	[tilespmem:s19], [sflag:$0x2] =	stream.indirect.gather [hbm4b:s1+s17], $0x80, s11, s17, $0xb8;
	[tilespmem:$0x1DB20] =	vst v63  }
0x68: {  	_ =	swait.ge [sflag:s30], $0x1400  }
0x69: {  	[sflag:s30] =	ssyncset.done $0x0  }
0x6a: {  	s11 =	sadd.s32 $0x2760, s10;
	[sflag:s30] =	ssyncadd.s32 $0xFFFFEC00  }
0x6b: {  	[spmem:s3] =	stream.indirect.scatter.add.f32 [tilespmem:s21], [sflag:$0x6], $0x80, s11, s17, $0xb8;
	[tilespmem:$0x1DB20] =	vst v63  }
.Ltmp0:
0x6c: {  	_ =	swait.ge [sflag:s16], $0x1400;
	(pc) =	sbr.rel @p0 .LBB2_2-.Ltmp0, $4  }
0x6d: {  	[sflag:s16] =	ssyncset.done $0x0  }
0x6e: {  	[sflag:s16] =	ssyncadd.s32 $0xFFFFEC00  }
0x6f: {  	[spmem:s4] =	stream.indirect.scatter.add.f32 [tilespmem:s23], [sflag:$0x4], $0x8, s11, s17, $0xb8;
	[tilespmem:$0x1DB20] =	vst v63  }
0x70: {  	s10 =	sadd.s32 $0xC8, s10  }
0x71: {  	[tilespmem:s21], [sflag:$0x3] =	stream.indirect.gather [hbm4b:s1+s17], $0x80, s10, s17, $0xb8;
	[tilespmem:$0x1DB20] =	vst v63  }
0x72: {  	_ =	swait.ge [sflag:s28], $0x1400  }
0x73: {  	[sflag:s28] =	ssyncset.done $0x0  }
0x74: {  	[sflag:s28] =	ssyncadd.s32 $0xFFFFEC00  }
0x75: {  	[spmem:s3] =	stream.indirect.scatter.add.f32 [tilespmem:s18], [sflag:$0x6], $0x80, s31, s17, $0xb8;
	[tilespmem:$0x1DB20] =	vst v63  }
0x76: {  	_ =	swait.ge [sflag:s16], $0x1400  }
0x77: {  	[sflag:s16] =	ssyncset.done $0x0  }
0x78: {  	[sflag:s16] =	ssyncadd.s32 $0xFFFFEC00  }
0x79: {  	[spmem:s4] =	stream.indirect.scatter.add.f32 [tilespmem:s23], [sflag:$0x4], $0x8, s31, s17, $0xb8;
	[tilespmem:$0x1DB20] =	vst v63  }
0x7a: {  	s9 =	simm.s32 $0x26E8  }
0x7b: {  	[tilespmem:s18], [sflag:$0x1] =	stream.indirect.gather [hbm4b:s1+s17], $0x80, s9, s17, $0xb8;
	[tilespmem:$0x1DB20] =	vst v63  }
0x7c: {  	_ =	swait.ge [sflag:s29], $0x1400  }
0x7d: {  	[sflag:s29] =	ssyncset.done $0x0  }
0x7e: {  	[sflag:s29] =	ssyncadd.s32 $0xFFFFEC00  }
0x7f: {  	[spmem:s3] =	stream.indirect.scatter.add.f32 [tilespmem:s19], [sflag:$0x6], $0x80, s0, s17, $0xb8;
	[tilespmem:$0x1DB20] =	vst v63  }
0x80: {  	_ =	swait.ge [sflag:s16], $0x1400  }
0x81: {  	[sflag:s16] =	ssyncset.done $0x0  }
0x82: {  	[sflag:s16] =	ssyncadd.s32 $0xFFFFEC00  }
0x83: {  	[spmem:s4] =	stream.indirect.scatter.add.f32 [tilespmem:s23], [sflag:$0x4], $0x8, s0, s17, $0xb8;
	[tilespmem:$0x1DB20] =	vst v63  }
0x84: {  	_ =	swait.ge [sflag:s30], $0x1400  }
0x85: {  	[sflag:s30] =	ssyncset.done $0x0  }
0x86: {  	[sflag:s30] =	ssyncadd.s32 $0xFFFFEC00  }
0x87: {  	[spmem:s3] =	stream.indirect.scatter.add.f32 [tilespmem:s21], [sflag:$0x6], $0x80, s20, s17, $0xb8;
	[tilespmem:$0x1DB20] =	vst v63  }
0x88: {  	_ =	swait.ge [sflag:s16], $0x1400  }
0x89: {  	[sflag:s16] =	ssyncset.done $0x0  }
0x8a: {  	[sflag:s16] =	ssyncadd.s32 $0xFFFFEC00  }
0x8b: {  	[spmem:s4] =	stream.indirect.scatter.add.f32 [tilespmem:s23], [sflag:$0x4], $0x8, s20, s17, $0xb8;
	[tilespmem:$0x1DB20] =	vst v63  }
0x8c: {  	_ =	swait.ge [sflag:s28], $0x1400  }
0x8d: {  	[sflag:s28] =	ssyncset.done $0x0  }
0x8e: {  	[sflag:s28] =	ssyncadd.s32 $0xFFFFEC00  }
0x8f: {  	[spmem:s3] =	stream.indirect.scatter.add.f32 [tilespmem:s18], [sflag:$0x6], $0x80, s22, s17, $0xb8;
	[tilespmem:$0x1DB20] =	vst v63  }
0x90: {  	_ =	swait.ge [sflag:s16], $0x1400  }
0x91: {  	[sflag:s16] =	ssyncset.done $0x0  }
0x92: {  	[sflag:s16] =	ssyncadd.s32 $0xFFFFEC00  }
0x93: {  	[spmem:s4] =	stream.indirect.scatter.add.f32 [tilespmem:s23], [sflag:$0x4], $0x8, s22, s17, $0xb8;
	[tilespmem:$0x1DB20] =	vst v63  }
0x94: {  	_ =	swait.ge [sflag:s2], $0x140  }
0x95: {  	s9 =	simm.s32 $0xF9;
	[sflag:s2] =	ssyncset.done $0x0  }
.LBB2_4:
0x96: {  	p0 =	sne.s32 s9, $0x1;
	s9 =	sadd.s32 $0xFFFFFFFF, s9;
	[sflag:s2] =	ssyncadd.s32 $0xFFFFFEC0  }
.Ltmp1:
0x97: {  	(pc) =	sbr.rel @p0 .LBB2_4-.Ltmp1, $3  }
0x98: {  	_ =	sdelay $0x1  }
0x99: {  	_ =	swait.ge [sflag:s2], $0x140  }
0x9a: {  	[sflag:s2] =	ssyncset.done $0x0  }
0x9b: {  	[sflag:s2] =	ssyncadd.s32 $0xFFFFFEC0  }
0x9c: {  	s9 =	sor.u32 $0x1C06, s24;
	[bflag:$0x0] =	sbarrier.arrive $0xFFFF  }
0x9d: {  	[hbm:s13], [sflag:s9] =	dma.local [spmem:s8], $0x2780  }
0x9e: {  	s6 =	sadd.s32 $0x1, s6;
	_ =	swait.ge [sflag:s16], $0x2780  }
0x9f: {  	p0 =	sne.s32 s6, s15;
	[sflag:s16] =	ssyncset.done $0x0  }
.Ltmp2:
0xa0: {  	[sflag:s16] =	ssyncadd.s32 $0xFFFFD880;
	(pc) =	sbr.rel @p0 .LBB2_1-.Ltmp2, $4  }
0xa1: {  	[hbm:s14], [sflag:s9] =	dma.local [spmem:s7], $0x278  }
0xa2: {  	_ =	swait.ge [sflag:s16], $0x278  }
0xa3: {  	[sflag:s16] =	ssyncset.done $0x0  }
0xa4: {  	[sflag:s16] =	ssyncadd.s32 $0xFFFFFD88  }
0xa5: {  	_ =	sfence.sel $0x180000  }
0xa6: {  	[bflag:$0x0] =	sbarrier.arrive $0xFFFF  }
0xa7: {  	_ =	strace $0x90000047  }
0xa8: {  	s0 =	stileid.u32;
	[bflag:$0x2] =	sbarrier.arrive $0xFFFF  }
0xa9: {  	p0 =	sne.s32 s0, $0x0;
	s0 =	rddreg [dreg:$0x5]  }
0xaa: {  	s0 =	sadd.s32 @!p0 $0x100000, s0  }
0xab: {  	[sflag:s0] =	ssyncadd.tile.s32 @!p0 $0x1;
	_ =	shalt  }
.Lfunc_end2:
_tile_overlayer_lowered:
.L_overlay_start_2:
0xac: {  	(tag) =	ssettag $0x2  }
0xad: {  	s0 =	rddreg [dreg:$0x0];
	s2 =	stileid.u32  }
0xae: {  	s1 =	rddreg [dreg:$0x1];
	p0 =	sne.s32 s2, $0x0  }
0xaf: {  	s3 =	rddreg [dreg:$0x2];
	[bflag:$0x3] =	sbarrier.arrive $0xFFFF;
	s2 =	simm.s32 @!p0 $0x1C06  }
0xb0: {  	[timem:s3], [sflag:s2] =	dma.local @!p0 [hbm:s0], s1  }
0xb1: {  	s0 =	simm.s32 @!p0 $0x6  }
0xb2: {  	_ =	swait.ge @!p0 [sflag:s0], s1  }
0xb3: {  	s1 =	ssub.s32 @!p0 $0x0, s1;
	[sflag:s0] =	ssyncset.done @!p0 $0x0  }
0xb4: {  	[sflag:s0] =	ssyncadd.s32 @!p0 s1  }
0xb5: {  	[bflag:$0x3] =	sbarrier.arrive $0xFFFF  }
0xb6: {  	_ =	shalt  }

</sc_bundles>
